<compile_context>
chip_gen: v7x
topology: tpu7x:2x2x1
jax: 0.10.2.dev20260603
libtpu: 0.0.44.dev20260713+nightly
codegen_flags: <defaults>
</compile_context>

<pallas_src>
import functools

import jax
import jax.numpy as jnp
from jax import lax
from jax.experimental import pallas as pl
from jax.experimental.pallas import tpu as pltpu
from jax.experimental.pallas import tpu_sc as plsc

_N = 10000
_E = 320000
_EP = 327680
_K = 128
_NSUB = 16
_NP = 10112


def _leaky(t):
    return jnp.where(t >= 0, t, 0.2 * t)




def _tc_phase_a(x, proj_W, proj_b, ln0_g, ln0_b, wl1a, wl1b, wr1):
    BN = 1000

    def body(x_ref, pw_ref, pb_ref, g_ref, b_ref, wla_ref, wlb_ref, wr_ref,
             p1a_ref, p1b_ref, r1_ref):
        z = jnp.dot(x_ref[...], pw_ref[...],
                    preferred_element_type=jnp.float32) + pb_ref[...]
        m = jnp.mean(z, axis=-1, keepdims=True)
        v = jnp.mean((z - m) ** 2, axis=-1, keepdims=True)
        h = (z - m) * lax.rsqrt(v + 1e-5) * g_ref[...] + b_ref[...]
        h = _leaky(h)
        p1a_ref[...] = jnp.dot(h, wla_ref[...], preferred_element_type=jnp.float32)
        p1b_ref[...] = jnp.dot(h, wlb_ref[...], preferred_element_type=jnp.float32)
        r1_ref[...] = jnp.dot(h, wr_ref[...], preferred_element_type=jnp.float32)

    return pl.pallas_call(
        body,
        grid=(_N // BN,),
        in_specs=[
            pl.BlockSpec((BN, 128), lambda i: (i, 0)),
            pl.BlockSpec((128, 512), lambda i: (0, 0)),
            pl.BlockSpec((512,), lambda i: (0,)),
            pl.BlockSpec((512,), lambda i: (0,)),
            pl.BlockSpec((512,), lambda i: (0,)),
            pl.BlockSpec((512, 128), lambda i: (0, 0)),
            pl.BlockSpec((512, 128), lambda i: (0, 0)),
            pl.BlockSpec((512, 256), lambda i: (0, 0)),
        ],
        out_specs=[
            pl.BlockSpec((BN, 128), lambda i: (i, 0)),
            pl.BlockSpec((BN, 128), lambda i: (i, 0)),
            pl.BlockSpec((BN, 256), lambda i: (i, 0)),
        ],
        out_shape=[
            jax.ShapeDtypeStruct((_N, 128), jnp.float32),
            jax.ShapeDtypeStruct((_N, 128), jnp.float32),
            jax.ShapeDtypeStruct((_N, 256), jnp.float32),
        ],
    )(x, proj_W, proj_b, ln0_g, ln0_b, wl1a, wl1b, wr1)


def _tc_phase_c(agg1a, agg1b, deg0, deg1, r1, bl1, bn1_g, bn1_b, wl2, wr2):
    BN = 1000
    inv_bn = 1.0 / (1.0 + 1e-5) ** 0.5

    def body(aa_ref, ab_ref, d0_ref, d1_ref, r1_ref, bl_ref, g_ref, b_ref,
             wl_ref, wr_ref, p2_ref, r2_ref):
        degc = jnp.maximum(d0_ref[...][:, 0:1] + d1_ref[...][:, 0:1], 1.0)
        mean = jnp.concatenate([aa_ref[...], ab_ref[...]], axis=-1) / degc
        pre = mean + bl_ref[...] + r1_ref[...]
        h1 = _leaky(pre * inv_bn * g_ref[...] + b_ref[...])
        p2_ref[...] = jnp.dot(h1, wl_ref[...], preferred_element_type=jnp.float32)
        r2_ref[...] = jnp.dot(h1, wr_ref[...], preferred_element_type=jnp.float32)

    return pl.pallas_call(
        body,
        grid=(_N // BN,),
        in_specs=[
            pl.BlockSpec((BN, 128), lambda i: (i, 0)),
            pl.BlockSpec((BN, 128), lambda i: (i, 0)),
            pl.BlockSpec((BN, 128), lambda i: (i, 0)),
            pl.BlockSpec((BN, 128), lambda i: (i, 0)),
            pl.BlockSpec((BN, 256), lambda i: (i, 0)),
            pl.BlockSpec((256,), lambda i: (0,)),
            pl.BlockSpec((256,), lambda i: (0,)),
            pl.BlockSpec((256,), lambda i: (0,)),
            pl.BlockSpec((256, 128), lambda i: (0, 0)),
            pl.BlockSpec((256, 128), lambda i: (0, 0)),
        ],
        out_specs=[
            pl.BlockSpec((BN, 128), lambda i: (i, 0)),
            pl.BlockSpec((BN, 128), lambda i: (i, 0)),
        ],
        out_shape=[
            jax.ShapeDtypeStruct((_N, 128), jnp.float32),
            jax.ShapeDtypeStruct((_N, 128), jnp.float32),
        ],
    )(agg1a, agg1b, deg0, deg1, r1, bl1, bn1_g, bn1_b, wl2, wr2)


def _tc_phase_e(agg2p, deg0, deg1, r2, bl2, bn2_g, bn2_b,
                cls_W1, cls_b1, cls_ln_g, cls_ln_b, cls_W2, cls_b2):
    BN = 1000
    inv_bn = 1.0 / (1.0 + 1e-5) ** 0.5

    def body(a0_ref, a1_ref, d0_ref, d1_ref, r2_ref, bl_ref, g_ref, b_ref,
             w1_ref, b1_ref, lg_ref, lb_ref, w2_ref, b2_ref,
             emb_ref, pred_ref):
        degc = jnp.maximum(d0_ref[...][:, 0:1] + d1_ref[...][:, 0:1], 1.0)
        mean = (a0_ref[...] + a1_ref[...]) / degc
        pre = mean + bl_ref[...] + r2_ref[...]
        emb = _leaky(pre * inv_bn * g_ref[...] + b_ref[...])
        emb_ref[...] = emb
        z = jnp.dot(emb, w1_ref[...], preferred_element_type=jnp.float32) + b1_ref[...]
        m = jnp.mean(z, axis=-1, keepdims=True)
        v = jnp.mean((z - m) ** 2, axis=-1, keepdims=True)
        c = _leaky((z - m) * lax.rsqrt(v + 1e-5) * lg_ref[...] + lb_ref[...])
        pred_ref[...] = jnp.dot(c, w2_ref[...], preferred_element_type=jnp.float32) + b2_ref[...]

    return pl.pallas_call(
        body,
        grid=(_N // BN,),
        in_specs=[
            pl.BlockSpec((BN, 128), lambda i: (i, 0)),
            pl.BlockSpec((BN, 128), lambda i: (i, 0)),
            pl.BlockSpec((BN, 128), lambda i: (i, 0)),
            pl.BlockSpec((BN, 128), lambda i: (i, 0)),
            pl.BlockSpec((BN, 128), lambda i: (i, 0)),
            pl.BlockSpec((128,), lambda i: (0,)),
            pl.BlockSpec((128,), lambda i: (0,)),
            pl.BlockSpec((128,), lambda i: (0,)),
            pl.BlockSpec((128, 256), lambda i: (0, 0)),
            pl.BlockSpec((256,), lambda i: (0,)),
            pl.BlockSpec((256,), lambda i: (0,)),
            pl.BlockSpec((256,), lambda i: (0,)),
            pl.BlockSpec((256, 16), lambda i: (0, 0)),
            pl.BlockSpec((16,), lambda i: (0,)),
        ],
        out_specs=[
            pl.BlockSpec((BN, 128), lambda i: (i, 0)),
            pl.BlockSpec((BN, 16), lambda i: (i, 0)),
        ],
        out_shape=[
            jax.ShapeDtypeStruct((_N, 128), jnp.float32),
            jax.ShapeDtypeStruct((_N, 16), jnp.float32),
        ],
    )(agg2p[0], agg2p[1], deg0, deg1, r2, bl2, bn2_g, bn2_b,
      cls_W1, cls_b1, cls_ln_g, cls_ln_b, cls_W2, cls_b2)




def _sc_agg_layer1(ptab, srcAB2d, dst2d, z128):
    mesh = plsc.VectorSubcoreMesh(core_axis_name="c", subcore_axis_name="s")
    nch = _EP // (_NSUB * _K)
    SUP = 32
    nsup = nch // SUP
    rps = _NP // _NSUB

    @functools.partial(
        pl.kernel,
        out_type=jax.ShapeDtypeStruct((2, _NP, 128), jnp.float32),
        mesh=mesh,
        scratch_types=[
            pltpu.VMEM_SHARED((_NP, 128), jnp.float32),
            pltpu.VMEM((SUP, _K), jnp.int32),
            pltpu.VMEM((SUP, _K), jnp.int32),
            pltpu.VMEM((_K, 128), jnp.float32),
            pltpu.VMEM((_K, 128), jnp.float32),
            pltpu.SemaphoreType.DMA,
            pltpu.SemaphoreType.DMA,
        ],
    )
    def k(ptab_hbm, src_hbm, dst_hbm, z128_hbm, out_hbm,
          acc_sh, src_blk, dst_blk, rowsa_v, rowsb_v, sema, semb):
        cid = lax.axis_index("c")
        sid = lax.axis_index("s")
        zrows = _NP // _NSUB
        pltpu.sync_copy(z128_hbm.at[pl.ds(sid * zrows, zrows)],
                        acc_sh.at[pl.ds(sid * zrows, zrows)])
        plsc.subcore_barrier()
        src_base = cid * (_NSUB * nch) + sid * nch
        dst_base = sid * nch

        def waita():
            pltpu.make_async_copy(ptab_hbm.at[pl.ds(0, _K)], rowsa_v, sema).wait()

        def waitb():
            pltpu.make_async_copy(ptab_hbm.at[pl.ds(0, _K)], rowsb_v, semb).wait()

        def super_body(s, carry):
            pltpu.sync_copy(src_hbm.at[pl.ds(src_base + s * SUP, SUP)], src_blk)
            pltpu.sync_copy(dst_hbm.at[pl.ds(dst_base + s * SUP, SUP)], dst_blk)
            pltpu.async_copy(ptab_hbm.at[src_blk.at[0]], rowsa_v, sema)

            def body(j, c2):
                pltpu.async_copy(ptab_hbm.at[src_blk.at[2 * j + 1]], rowsb_v, semb)
                waita()
                pltpu.sync_copy(rowsa_v, acc_sh.at[dst_blk.at[2 * j]], add=True)
                ja2 = jnp.minimum(2 * j + 2, SUP - 1)
                pltpu.async_copy(ptab_hbm.at[src_blk.at[ja2]], rowsa_v, sema)
                waitb()
                pltpu.sync_copy(rowsb_v, acc_sh.at[dst_blk.at[2 * j + 1]], add=True)
                return c2

            lax.fori_loop(0, SUP // 2, body, 0)
            waita()
            return carry

        lax.fori_loop(0, nsup, super_body, 0)
        plsc.subcore_barrier()
        pltpu.sync_copy(acc_sh.at[pl.ds(sid * rps, rps)],
                        out_hbm.at[cid, pl.ds(sid * rps, rps)])

    return k(ptab, srcAB2d, dst2d, z128)


def _sc_deg(dst2d, z128, ones128):
    mesh = plsc.VectorSubcoreMesh(core_axis_name="c", subcore_axis_name="s")
    nch = _EP // (2 * _NSUB * _K)
    rps = _NP // _NSUB

    @functools.partial(
        pl.kernel,
        out_type=jax.ShapeDtypeStruct((2, _NP, 128), jnp.float32),
        mesh=mesh,
        scratch_types=[
            pltpu.VMEM_SHARED((_NP, 128), jnp.float32),
            pltpu.VMEM((nch, _K), jnp.int32),
            pltpu.VMEM((_K, 128), jnp.float32),
        ],
    )
    def k(dst_hbm, z128_hbm, ones_hbm, out_hbm, acc_sh, dst_blk, ones_v):
        cid = lax.axis_index("c")
        sid = lax.axis_index("s")
        wid = cid * _NSUB + sid
        zrows = _NP // _NSUB
        pltpu.sync_copy(z128_hbm.at[pl.ds(sid * zrows, zrows)],
                        acc_sh.at[pl.ds(sid * zrows, zrows)])
        pltpu.sync_copy(ones_hbm, ones_v)
        pltpu.sync_copy(dst_hbm.at[pl.ds(wid * nch, nch)], dst_blk)
        plsc.subcore_barrier()

        def body(i, carry):
            pltpu.sync_copy(ones_v, acc_sh.at[dst_blk.at[i]], add=True)
            return carry

        lax.fori_loop(0, nch, body, 0)
        plsc.subcore_barrier()
        pltpu.sync_copy(acc_sh.at[pl.ds(sid * rps, rps)],
                        out_hbm.at[cid, pl.ds(sid * rps, rps)])

    return k(dst2d, z128, ones128)


def _sc_agg_layer2(p2, src2d, dst2d, z128):
    mesh = plsc.VectorSubcoreMesh(core_axis_name="c", subcore_axis_name="s")
    nch = _EP // (2 * _NSUB * _K)
    SUP = 16
    nsup = nch // SUP
    rps = _NP // _NSUB

    @functools.partial(
        pl.kernel,
        out_type=jax.ShapeDtypeStruct((2, _NP, 128), jnp.float32),
        mesh=mesh,
        scratch_types=[
            pltpu.VMEM_SHARED((_NP, 128), jnp.float32),
            pltpu.VMEM((SUP, _K), jnp.int32),
            pltpu.VMEM((SUP, _K), jnp.int32),
            pltpu.VMEM((_K, 128), jnp.float32),
            pltpu.VMEM((_K, 128), jnp.float32),
            pltpu.SemaphoreType.DMA,
            pltpu.SemaphoreType.DMA,
        ],
    )
    def k(p2_hbm, src_hbm, dst_hbm, z128_hbm, out_hbm,
          acc_sh, src_blk, dst_blk, rowsa_v, rowsb_v, sema, semb):
        cid = lax.axis_index("c")
        sid = lax.axis_index("s")
        wid = cid * _NSUB + sid
        zrows = _NP // _NSUB
        pltpu.sync_copy(z128_hbm.at[pl.ds(sid * zrows, zrows)],
                        acc_sh.at[pl.ds(sid * zrows, zrows)])
        plsc.subcore_barrier()
        row_base = wid * nch

        def waita():
            pltpu.make_async_copy(p2_hbm.at[pl.ds(0, _K)], rowsa_v, sema).wait()

        def waitb():
            pltpu.make_async_copy(p2_hbm.at[pl.ds(0, _K)], rowsb_v, semb).wait()

        def super_body(s, carry):
            pltpu.sync_copy(src_hbm.at[pl.ds(row_base + s * SUP, SUP)], src_blk)
            pltpu.sync_copy(dst_hbm.at[pl.ds(row_base + s * SUP, SUP)], dst_blk)
            pltpu.async_copy(p2_hbm.at[src_blk.at[0]], rowsa_v, sema)

            def body(j, c2):
                pltpu.async_copy(p2_hbm.at[src_blk.at[2 * j + 1]], rowsb_v, semb)
                waita()
                pltpu.sync_copy(rowsa_v, acc_sh.at[dst_blk.at[2 * j]], add=True)
                ja2 = jnp.minimum(2 * j + 2, SUP - 1)
                pltpu.async_copy(p2_hbm.at[src_blk.at[ja2]], rowsa_v, sema)
                waitb()
                pltpu.sync_copy(rowsb_v, acc_sh.at[dst_blk.at[2 * j + 1]], add=True)
                return c2

            lax.fori_loop(0, SUP // 2, body, 0)
            waita()
            return carry

        lax.fori_loop(0, nsup, super_body, 0)
        plsc.subcore_barrier()
        pltpu.sync_copy(acc_sh.at[pl.ds(sid * rps, rps)],
                        out_hbm.at[cid, pl.ds(sid * rps, rps)])

    return k(p2, src2d, dst2d, z128)




def kernel(x, edge_index, proj_W, proj_b, ln0_g, ln0_b,
           sage1_Wl, sage1_bl, sage1_Wr, bn1_g, bn1_b,
           sage2_Wl, sage2_bl, sage2_Wr, bn2_g, bn2_b,
           cls_W1, cls_b1, cls_ln_g, cls_ln_b, cls_W2, cls_b2):
    pad = _EP - _E
    src = jnp.concatenate([edge_index[0], jnp.full((pad,), _N, jnp.int32)])
    dst = jnp.concatenate([edge_index[1], jnp.full((pad,), _N, jnp.int32)])
    src2d = src.reshape(_EP // _K, _K)
    dst2d = dst.reshape(_EP // _K, _K)
    srcAB2d = jnp.concatenate([src2d, src2d + _NP])
    zpad = jnp.zeros((_NP - _N, 128), jnp.float32)
    z128 = jnp.zeros((_NP, 128), jnp.float32)
    ones128 = jnp.ones((_K, 128), jnp.float32)
    wl1a = sage1_Wl[:, :128]
    wl1b = sage1_Wl[:, 128:]

    degp = _sc_deg(dst2d, z128, ones128)

    p1a, p1b, r1 = _tc_phase_a(x, proj_W, proj_b, ln0_g, ln0_b,
                               wl1a, wl1b, sage1_Wr)
    ptab = jnp.concatenate([p1a, zpad, p1b, zpad])
    agg1 = _sc_agg_layer1(ptab, srcAB2d, dst2d, z128)

    p2, r2 = _tc_phase_c(agg1[0], agg1[1], degp[0], degp[1], r1, sage1_bl,
                         bn1_g, bn1_b, sage2_Wl, sage2_Wr)
    p2_p = jnp.concatenate([p2, zpad])

    agg2p = _sc_agg_layer2(p2_p, src2d, dst2d, z128)

    emb, pred = _tc_phase_e(agg2p, degp[0], degp[1], r2, sage2_bl, bn2_g, bn2_b,
                            cls_W1, cls_b1, cls_ln_g, cls_ln_b, cls_W2, cls_b2)
    return (emb, pred)

# --- scband reference (transcript-rebuilt; emitter-appended) ---
"""Pipeline reference for scband-global-graph-sage-3521873183446 (READ-ONLY COPY).

The authoritative reference and input builder live on the scoring server;
editing this copy changes nothing except your own understanding.
"""

import jax, jax.numpy as jnp
import numpy as np

N = 10000
E = 320000
D_IN = 128
H = 256
C = 16


def _leaky(x):
    return jnp.where(x >= 0, x, 0.2 * x)


def _layer_norm(x, g, b, eps=1e-5):
    m = jnp.mean(x, axis=-1, keepdims=True)
    v = jnp.var(x, axis=-1, keepdims=True)
    return (x - m) / jnp.sqrt(v + eps) * g + b


def _batch_norm_eval(x, g, b, eps=1e-5):
    # eval mode: running_mean=0, running_var=1
    return x / jnp.sqrt(1.0 + eps) * g + b


def _sage_conv(x, edge_index, Wl, bl, Wr, n_nodes):
    src = edge_index[0]
    dst = edge_index[1]
    msgs = jnp.take(x, src, axis=0)
    agg = jax.ops.segment_sum(msgs, dst, num_segments=n_nodes)
    deg = jax.ops.segment_sum(jnp.ones((msgs.shape[0],), dtype=x.dtype), dst, num_segments=n_nodes)
    mean = agg / jnp.clip(deg, 1.0)[:, None]
    return mean @ Wl + bl + x @ Wr


def setup_inputs(seed: int = 0):
    key = jax.random.key(seed)
    ks = [jax.random.fold_in(key, i) for i in range(24)]
    def p(k, shape, s=0.02):
        return jax.random.normal(k, shape, dtype=jnp.float32) * s
    inp = {}
    inp["x"] = jax.random.normal(ks[0], (N, D_IN), dtype=jnp.float32)
    inp["edge_index"] = jax.random.randint(ks[1], (2, E), 0, N, dtype=jnp.int32)
    inp["proj_W"] = p(ks[2], (D_IN, 2 * H))
    inp["proj_b"] = jnp.zeros((2 * H,), jnp.float32)
    inp["ln0_g"] = jnp.ones((2 * H,), jnp.float32)
    inp["ln0_b"] = jnp.zeros((2 * H,), jnp.float32)
    inp["sage1_Wl"] = p(ks[3], (2 * H, H))
    inp["sage1_bl"] = jnp.zeros((H,), jnp.float32)
    inp["sage1_Wr"] = p(ks[4], (2 * H, H))
    inp["bn1_g"] = jnp.ones((H,), jnp.float32)
    inp["bn1_b"] = jnp.zeros((H,), jnp.float32)
    inp["sage2_Wl"] = p(ks[5], (H, H // 2))
    inp["sage2_bl"] = jnp.zeros((H // 2,), jnp.float32)
    inp["sage2_Wr"] = p(ks[6], (H, H // 2))
    inp["bn2_g"] = jnp.ones((H // 2,), jnp.float32)
    inp["bn2_b"] = jnp.zeros((H // 2,), jnp.float32)
    inp["cls_W1"] = p(ks[7], (H // 2, H))
    inp["cls_b1"] = jnp.zeros((H,), jnp.float32)
    inp["cls_ln_g"] = jnp.ones((H,), jnp.float32)
    inp["cls_ln_b"] = jnp.zeros((H,), jnp.float32)
    inp["cls_W2"] = p(ks[8], (H, C))
    inp["cls_b2"] = jnp.zeros((C,), jnp.float32)
    return inp


def reference(x, edge_index, proj_W, proj_b, ln0_g, ln0_b, sage1_Wl, sage1_bl, sage1_Wr, bn1_g, bn1_b, sage2_Wl, sage2_bl, sage2_Wr, bn2_g, bn2_b, cls_W1, cls_b1, cls_ln_g, cls_ln_b, cls_W2, cls_b2):
    # input projection (dropout is identity in eval mode)
    h = _leaky(_layer_norm(x @ proj_W + proj_b, ln0_g, ln0_b))
    # sage1 + bn1 + leaky_relu
    h = _sage_conv(h, edge_index, sage1_Wl, sage1_bl, sage1_Wr, N)
    h = _leaky(_batch_norm_eval(h, bn1_g, bn1_b))
    # sage2 + bn2 + leaky_relu
    h = _sage_conv(h, edge_index, sage2_Wl, sage2_bl, sage2_Wr, N)
    h = _leaky(_batch_norm_eval(h, bn2_g, bn2_b))
    embeddings = h
    # classifier
    c = _leaky(_layer_norm(embeddings @ cls_W1 + cls_b1, cls_ln_g, cls_ln_b))
    predictions = c @ cls_W2 + cls_b2
    return (embeddings, predictions)

if __name__ == "__main__":
    import jax
    _d = setup_inputs()
    print(jax.jit(kernel)(*tuple(_d.values())))

</pallas_src>

<mosaic_0001>
#map = affine_map<(d0, d1) -> (0, 0)>
#map1 = affine_map<(d0, d1) -> (0, 0, 0)>
module attributes {stable_mosaic.version = 14 : i64} {
  func.func @k(%arg0: i32, %arg1: i32, %arg2: memref<2560x128xi32, #tpu.memory_space<hbm>>, %arg3: memref<10112x128xf32, #tpu.memory_space<hbm>>, %arg4: memref<128x128xf32, #tpu.memory_space<hbm>>, %arg5: memref<2x10112x128xf32, #tpu.memory_space<hbm>>, %arg6: memref<10112x128xf32, #tpu.memory_space<vmem_shared>>, %arg7: memref<80x128xi32, #tpu.memory_space<vmem>>, %arg8: memref<128x128xf32, #tpu.memory_space<vmem>>) attributes {dimension_semantics = [#tpu.dimension_semantics<core_parallel>, #tpu.dimension_semantics<subcore_parallel>], iteration_bounds = array<i64: 2, 16>, scalar_prefetch = 0 : i64, scratch_operands = 3 : i64, tpu.core_type = #tpu.core_type<sc_vector_subcore>, window_params = [{transform_indices = #map}, {transform_indices = #map}, {transform_indices = #map}, {transform_indices = #map1}]} {
    %mul3A = arith.constant 16 : i32
    %mul3A_0 = arith.muli %arg0, %mul3A : i32
    %add3A = arith.addi %mul3A_0, %arg1 : i32
    %mul3A_1 = arith.constant 632 : i32
    %mul3A_2 = arith.muli %arg1, %mul3A_1 : i32
    %mul3A_3 = arith.constant 632 : i32
    %mul3A_4 = arith.muli %arg1, %mul3A_3 : i32
    "tpu.region"() ({
      %run_scoped3A = tpu.sem_alloc : memref<!tpu.dma_semaphore, #tpu.memory_space<semaphore_mem>>
      %dma_start3A = arith.constant 0 : i32
      %dma_start3A_17 = tpu.memref_slice %arg6[%mul3A_4, %dma_start3A] : memref<10112x128xf32, #tpu.memory_space<vmem_shared>> -> memref<632x128xf32, #tpu.memory_space<vmem_shared>>
      %dma_start3A_18 = arith.constant 0 : i32
      %dma_start3A_19 = tpu.memref_slice %arg3[%mul3A_2, %dma_start3A_18] : memref<10112x128xf32, #tpu.memory_space<hbm>> -> memref<632x128xf32, #tpu.memory_space<hbm>>
      tpu.enqueue_dma source(%dma_start3A_19 : memref<632x128xf32, #tpu.memory_space<hbm>>) target(%dma_start3A_17 : memref<632x128xf32, #tpu.memory_space<vmem_shared>>) target_semaphore(%run_scoped3A : memref<!tpu.dma_semaphore, #tpu.memory_space<semaphore_mem>>)
      %dma_wait3A = arith.constant 0 : i32
      %dma_wait3A_20 = tpu.memref_slice %arg6[%mul3A_4, %dma_wait3A] : memref<10112x128xf32, #tpu.memory_space<vmem_shared>> -> memref<632x128xf32, #tpu.memory_space<vmem_shared>>
      %dma_wait3A_21 = arith.constant 0 : i32
      %dma_wait3A_22 = tpu.memref_slice %arg3[%mul3A_2, %dma_wait3A_21] : memref<10112x128xf32, #tpu.memory_space<hbm>> -> memref<632x128xf32, #tpu.memory_space<hbm>>
      tpu.wait_dma2 semaphore(%run_scoped3A : memref<!tpu.dma_semaphore, #tpu.memory_space<semaphore_mem>>) src(%dma_wait3A_22 : memref<632x128xf32, #tpu.memory_space<hbm>>) dst(%dma_wait3A_20 : memref<632x128xf32, #tpu.memory_space<vmem_shared>>)
      tpu.yield
    }) : () -> ()
    "tpu.region"() ({
      %run_scoped3A = tpu.sem_alloc : memref<!tpu.dma_semaphore, #tpu.memory_space<semaphore_mem>>
      tpu.enqueue_dma source(%arg4 : memref<128x128xf32, #tpu.memory_space<hbm>>) target(%arg8 : memref<128x128xf32, #tpu.memory_space<vmem>>) target_semaphore(%run_scoped3A : memref<!tpu.dma_semaphore, #tpu.memory_space<semaphore_mem>>)
      tpu.wait_dma2 semaphore(%run_scoped3A : memref<!tpu.dma_semaphore, #tpu.memory_space<semaphore_mem>>) src(%arg4 : memref<128x128xf32, #tpu.memory_space<hbm>>) dst(%arg8 : memref<128x128xf32, #tpu.memory_space<vmem>>)
      tpu.yield
    }) : () -> ()
    %mul3A_5 = arith.constant 80 : i32
    %mul3A_6 = arith.muli %add3A, %mul3A_5 : i32
    "tpu.region"() ({
      %run_scoped3A = tpu.sem_alloc : memref<!tpu.dma_semaphore, #tpu.memory_space<semaphore_mem>>
      %dma_start3A = arith.constant 0 : i32
      %dma_start3A_17 = tpu.memref_slice %arg2[%mul3A_6, %dma_start3A] : memref<2560x128xi32, #tpu.memory_space<hbm>> -> memref<80x128xi32, #tpu.memory_space<hbm>>
      %dma_start3A_18 = arith.constant 0 : i32
      %dma_start3A_19 = tpu.memref_slice %arg2[%mul3A_6, %dma_start3A_18] : memref<2560x128xi32, #tpu.memory_space<hbm>> -> memref<80x128xi32, #tpu.memory_space<hbm>>
      tpu.enqueue_dma source(%dma_start3A_19 : memref<80x128xi32, #tpu.memory_space<hbm>>) target(%arg7 : memref<80x128xi32, #tpu.memory_space<vmem>>) target_semaphore(%run_scoped3A : memref<!tpu.dma_semaphore, #tpu.memory_space<semaphore_mem>>)
      %dma_wait3A = arith.constant 0 : i32
      %dma_wait3A_20 = tpu.memref_slice %arg2[%mul3A_6, %dma_wait3A] : memref<2560x128xi32, #tpu.memory_space<hbm>> -> memref<80x128xi32, #tpu.memory_space<hbm>>
      %dma_wait3A_21 = arith.constant 0 : i32
      %dma_wait3A_22 = tpu.memref_slice %arg2[%mul3A_6, %dma_wait3A_21] : memref<2560x128xi32, #tpu.memory_space<hbm>> -> memref<80x128xi32, #tpu.memory_space<hbm>>
      tpu.wait_dma2 semaphore(%run_scoped3A : memref<!tpu.dma_semaphore, #tpu.memory_space<semaphore_mem>>) src(%dma_wait3A_22 : memref<80x128xi32, #tpu.memory_space<hbm>>) dst(%arg7 : memref<80x128xi32, #tpu.memory_space<vmem>>)
      tpu.yield
    }) : () -> ()
    %barrier3A = arith.constant 0 : index
    tpu.barrier barrier_id(%barrier3A)
    %scan3A = arith.constant 0 : i32
    %scan3A_7 = arith.constant 0 : i32
    %scan3A_8 = arith.constant 80 : i32
    %scan3A_9 = arith.addi %scan3A_7, %scan3A_8 : i32
    %scan3A_10 = arith.constant 1 : i32
    scf.for %scan3A_17 = %scan3A_7 to %scan3A_9 step %scan3A_10  : i32 {
      "tpu.region"() ({
        %run_scoped3A = tpu.sem_alloc : memref<!tpu.dma_semaphore, #tpu.memory_space<semaphore_mem>>
        %dma_start3A = arith.constant 0 : i32
        %dma_start3A_18 = tpu.memref_slice %arg7[%scan3A_17, %dma_start3A] : memref<80x128xi32, #tpu.memory_space<vmem>> -> memref<1x128xi32, #tpu.memory_space<vmem>>
        %dma_start3A_19 = tpu.memref_squeeze %dma_start3A_18 : memref<1x128xi32, #tpu.memory_space<vmem>> -> memref<128xi32, #tpu.memory_space<vmem>>
        %dma_start3A_20 = arith.constant 0 : i32
        %dma_start3A_21 = arith.constant 0 : i32
        %dma_start3A_22 = tpu.memref_slice %arg6[%dma_start3A_20, %dma_start3A_21] : memref<10112x128xf32, #tpu.memory_space<vmem_shared>> -> memref<10112x128xf32, #tpu.memory_space<vmem_shared>>
        tpu.enqueue_indirect_dma source(%arg8 : memref<128x128xf32, #tpu.memory_space<vmem>>) target(%dma_start3A_22 : memref<10112x128xf32, #tpu.memory_space<vmem_shared>>) offsets(%dma_start3A_19 : memref<128xi32, #tpu.memory_space<vmem>>) semaphore(%run_scoped3A : memref<!tpu.dma_semaphore, #tpu.memory_space<semaphore_mem>>) {add = true}
        %dma_wait3A = arith.constant 0 : i32
        %dma_wait3A_23 = tpu.memref_slice %arg7[%scan3A_17, %dma_wait3A] : memref<80x128xi32, #tpu.memory_space<vmem>> -> memref<1x128xi32, #tpu.memory_space<vmem>>
        %dma_wait3A_24 = tpu.memref_squeeze %dma_wait3A_23 : memref<1x128xi32, #tpu.memory_space<vmem>> -> memref<128xi32, #tpu.memory_space<vmem>>
        %dma_wait3A_25 = arith.constant 0 : i32
        %dma_wait3A_26 = arith.constant 0 : i32
        %dma_wait3A_27 = tpu.memref_slice %arg6[%dma_wait3A_25, %dma_wait3A_26] : memref<10112x128xf32, #tpu.memory_space<vmem_shared>> -> memref<10112x128xf32, #tpu.memory_space<vmem_shared>>
        tpu.wait_indirect_dma semaphore(%run_scoped3A : memref<!tpu.dma_semaphore, #tpu.memory_space<semaphore_mem>>) src(%arg8 : memref<128x128xf32, #tpu.memory_space<vmem>>) dst(%dma_wait3A_27 : memref<10112x128xf32, #tpu.memory_space<vmem_shared>>)
        tpu.yield
      }) : () -> ()
    }
    %scan3A_11 = arith.constant 80 : i32
    %barrier3A_12 = arith.constant 0 : index
    tpu.barrier barrier_id(%barrier3A_12)
    %mul3A_13 = arith.constant 632 : i32
    %mul3A_14 = arith.muli %arg1, %mul3A_13 : i32
    %mul3A_15 = arith.constant 632 : i32
    %mul3A_16 = arith.muli %arg1, %mul3A_15 : i32
    "tpu.region"() ({
      %run_scoped3A = tpu.sem_alloc : memref<!tpu.dma_semaphore, #tpu.memory_space<semaphore_mem>>
      %dma_start3A = arith.constant 0 : i32
      %dma_start3A_17 = tpu.memref_slice %arg5[%arg0, %mul3A_16, %dma_start3A] : memref<2x10112x128xf32, #tpu.memory_space<hbm>> -> memref<1x632x128xf32, #tpu.memory_space<hbm>>
      %dma_start3A_18 = tpu.memref_squeeze %dma_start3A_17 : memref<1x632x128xf32, #tpu.memory_space<hbm>> -> memref<632x128xf32, #tpu.memory_space<hbm>>
      %dma_start3A_19 = arith.constant 0 : i32
      %dma_start3A_20 = tpu.memref_slice %arg6[%mul3A_14, %dma_start3A_19] : memref<10112x128xf32, #tpu.memory_space<vmem_shared>> -> memref<632x128xf32, #tpu.memory_space<vmem_shared>>
      tpu.enqueue_dma source(%dma_start3A_20 : memref<632x128xf32, #tpu.memory_space<vmem_shared>>) target(%dma_start3A_18 : memref<632x128xf32, #tpu.memory_space<hbm>>) target_semaphore(%run_scoped3A : memref<!tpu.dma_semaphore, #tpu.memory_space<semaphore_mem>>)
      %dma_wait3A = arith.constant 0 : i32
      %dma_wait3A_21 = tpu.memref_slice %arg5[%arg0, %mul3A_16, %dma_wait3A] : memref<2x10112x128xf32, #tpu.memory_space<hbm>> -> memref<1x632x128xf32, #tpu.memory_space<hbm>>
      %dma_wait3A_22 = tpu.memref_squeeze %dma_wait3A_21 : memref<1x632x128xf32, #tpu.memory_space<hbm>> -> memref<632x128xf32, #tpu.memory_space<hbm>>
      %dma_wait3A_23 = arith.constant 0 : i32
      %dma_wait3A_24 = tpu.memref_slice %arg6[%mul3A_14, %dma_wait3A_23] : memref<10112x128xf32, #tpu.memory_space<vmem_shared>> -> memref<632x128xf32, #tpu.memory_space<vmem_shared>>
      tpu.wait_dma2 semaphore(%run_scoped3A : memref<!tpu.dma_semaphore, #tpu.memory_space<semaphore_mem>>) src(%dma_wait3A_24 : memref<632x128xf32, #tpu.memory_space<vmem_shared>>) dst(%dma_wait3A_22 : memref<632x128xf32, #tpu.memory_space<hbm>>)
      tpu.yield
    }) : () -> ()
    return
  }
}

#map = affine_map<(d0, d1) -> (0, 0)>
#map1 = affine_map<(d0, d1) -> (0, 0, 0)>
module attributes {stable_mosaic.version = 14 : i64} {
  func.func @k(%arg0: i32, %arg1: i32, %arg2: memref<20224x128xf32, #tpu.memory_space<hbm>>, %arg3: memref<5120x128xi32, #tpu.memory_space<hbm>>, %arg4: memref<2560x128xi32, #tpu.memory_space<hbm>>, %arg5: memref<10112x128xf32, #tpu.memory_space<hbm>>, %arg6: memref<2x10112x128xf32, #tpu.memory_space<hbm>>, %arg7: memref<10112x128xf32, #tpu.memory_space<vmem_shared>>, %arg8: memref<32x128xi32, #tpu.memory_space<vmem>>, %arg9: memref<32x128xi32, #tpu.memory_space<vmem>>, %arg10: memref<128x128xf32, #tpu.memory_space<vmem>>, %arg11: memref<128x128xf32, #tpu.memory_space<vmem>>, %arg12: memref<!tpu.dma_semaphore, #tpu.memory_space<semaphore_mem>>, %arg13: memref<!tpu.dma_semaphore, #tpu.memory_space<semaphore_mem>>) attributes {dimension_semantics = [#tpu.dimension_semantics<core_parallel>, #tpu.dimension_semantics<subcore_parallel>], iteration_bounds = array<i64: 2, 16>, scalar_prefetch = 0 : i64, scratch_operands = 7 : i64, tpu.core_type = #tpu.core_type<sc_vector_subcore>, window_params = [{transform_indices = #map}, {transform_indices = #map}, {transform_indices = #map}, {transform_indices = #map}, {transform_indices = #map1}]} {
    %mul3A = arith.constant 632 : i32
    %mul3A_0 = arith.muli %arg1, %mul3A : i32
    %mul3A_1 = arith.constant 632 : i32
    %mul3A_2 = arith.muli %arg1, %mul3A_1 : i32
    "tpu.region"() ({
      %run_scoped3A = tpu.sem_alloc : memref<!tpu.dma_semaphore, #tpu.memory_space<semaphore_mem>>
      %dma_start3A = arith.constant 0 : i32
      %dma_start3A_19 = tpu.memref_slice %arg7[%mul3A_2, %dma_start3A] : memref<10112x128xf32, #tpu.memory_space<vmem_shared>> -> memref<632x128xf32, #tpu.memory_space<vmem_shared>>
      %dma_start3A_20 = arith.constant 0 : i32
      %dma_start3A_21 = tpu.memref_slice %arg5[%mul3A_0, %dma_start3A_20] : memref<10112x128xf32, #tpu.memory_space<hbm>> -> memref<632x128xf32, #tpu.memory_space<hbm>>
      tpu.enqueue_dma source(%dma_start3A_21 : memref<632x128xf32, #tpu.memory_space<hbm>>) target(%dma_start3A_19 : memref<632x128xf32, #tpu.memory_space<vmem_shared>>) target_semaphore(%run_scoped3A : memref<!tpu.dma_semaphore, #tpu.memory_space<semaphore_mem>>)
      %dma_wait3A = arith.constant 0 : i32
      %dma_wait3A_22 = tpu.memref_slice %arg7[%mul3A_2, %dma_wait3A] : memref<10112x128xf32, #tpu.memory_space<vmem_shared>> -> memref<632x128xf32, #tpu.memory_space<vmem_shared>>
      %dma_wait3A_23 = arith.constant 0 : i32
      %dma_wait3A_24 = tpu.memref_slice %arg5[%mul3A_0, %dma_wait3A_23] : memref<10112x128xf32, #tpu.memory_space<hbm>> -> memref<632x128xf32, #tpu.memory_space<hbm>>
      tpu.wait_dma2 semaphore(%run_scoped3A : memref<!tpu.dma_semaphore, #tpu.memory_space<semaphore_mem>>) src(%dma_wait3A_24 : memref<632x128xf32, #tpu.memory_space<hbm>>) dst(%dma_wait3A_22 : memref<632x128xf32, #tpu.memory_space<vmem_shared>>)
      tpu.yield
    }) : () -> ()
    %barrier3A = arith.constant 0 : index
    tpu.barrier barrier_id(%barrier3A)
    %mul3A_3 = arith.constant 2560 : i32
    %mul3A_4 = arith.muli %arg0, %mul3A_3 : i32
    %mul3A_5 = arith.constant 160 : i32
    %mul3A_6 = arith.muli %arg1, %mul3A_5 : i32
    %add3A = arith.addi %mul3A_4, %mul3A_6 : i32
    %mul3A_7 = arith.constant 160 : i32
    %mul3A_8 = arith.muli %arg1, %mul3A_7 : i32
    %scan3A = arith.constant 0 : i32
    %scan3A_9 = arith.constant 0 : i32
    %scan3A_10 = arith.constant 5 : i32
    %scan3A_11 = arith.addi %scan3A_9, %scan3A_10 : i32
    %scan3A_12 = arith.constant 1 : i32
    scf.for %scan3A_19 = %scan3A_9 to %scan3A_11 step %scan3A_12  : i32 {
      %mul3A_20 = arith.constant 32 : i32
      %mul3A_21 = arith.muli %scan3A_19, %mul3A_20 : i32
      %add3A_22 = arith.addi %add3A, %mul3A_21 : i32
      "tpu.region"() ({
        %run_scoped3A = tpu.sem_alloc : memref<!tpu.dma_semaphore, #tpu.memory_space<semaphore_mem>>
        %dma_start3A_43 = arith.constant 0 : i32
        %dma_start3A_44 = tpu.memref_slice %arg3[%add3A_22, %dma_start3A_43] : memref<5120x128xi32, #tpu.memory_space<hbm>> -> memref<32x128xi32, #tpu.memory_space<hbm>>
        %dma_start3A_45 = arith.constant 0 : i32
        %dma_start3A_46 = tpu.memref_slice %arg3[%add3A_22, %dma_start3A_45] : memref<5120x128xi32, #tpu.memory_space<hbm>> -> memref<32x128xi32, #tpu.memory_space<hbm>>
        tpu.enqueue_dma source(%dma_start3A_46 : memref<32x128xi32, #tpu.memory_space<hbm>>) target(%arg8 : memref<32x128xi32, #tpu.memory_space<vmem>>) target_semaphore(%run_scoped3A : memref<!tpu.dma_semaphore, #tpu.memory_space<semaphore_mem>>)
        %dma_wait3A_47 = arith.constant 0 : i32
        %dma_wait3A_48 = tpu.memref_slice %arg3[%add3A_22, %dma_wait3A_47] : memref<5120x128xi32, #tpu.memory_space<hbm>> -> memref<32x128xi32, #tpu.memory_space<hbm>>
        %dma_wait3A_49 = arith.constant 0 : i32
        %dma_wait3A_50 = tpu.memref_slice %arg3[%add3A_22, %dma_wait3A_49] : memref<5120x128xi32, #tpu.memory_space<hbm>> -> memref<32x128xi32, #tpu.memory_space<hbm>>
        tpu.wait_dma2 semaphore(%run_scoped3A : memref<!tpu.dma_semaphore, #tpu.memory_space<semaphore_mem>>) src(%dma_wait3A_50 : memref<32x128xi32, #tpu.memory_space<hbm>>) dst(%arg8 : memref<32x128xi32, #tpu.memory_space<vmem>>)
        tpu.yield
      }) : () -> ()
      %mul3A_23 = arith.constant 32 : i32
      %mul3A_24 = arith.muli %scan3A_19, %mul3A_23 : i32
      %add3A_25 = arith.addi %mul3A_8, %mul3A_24 : i32
      "tpu.region"() ({
        %run_scoped3A = tpu.sem_alloc : memref<!tpu.dma_semaphore, #tpu.memory_space<semaphore_mem>>
        %dma_start3A_43 = arith.constant 0 : i32
        %dma_start3A_44 = tpu.memref_slice %arg4[%add3A_25, %dma_start3A_43] : memref<2560x128xi32, #tpu.memory_space<hbm>> -> memref<32x128xi32, #tpu.memory_space<hbm>>
        %dma_start3A_45 = arith.constant 0 : i32
        %dma_start3A_46 = tpu.memref_slice %arg4[%add3A_25, %dma_start3A_45] : memref<2560x128xi32, #tpu.memory_space<hbm>> -> memref<32x128xi32, #tpu.memory_space<hbm>>
        tpu.enqueue_dma source(%dma_start3A_46 : memref<32x128xi32, #tpu.memory_space<hbm>>) target(%arg9 : memref<32x128xi32, #tpu.memory_space<vmem>>) target_semaphore(%run_scoped3A : memref<!tpu.dma_semaphore, #tpu.memory_space<semaphore_mem>>)
        %dma_wait3A_47 = arith.constant 0 : i32
        %dma_wait3A_48 = tpu.memref_slice %arg4[%add3A_25, %dma_wait3A_47] : memref<2560x128xi32, #tpu.memory_space<hbm>> -> memref<32x128xi32, #tpu.memory_space<hbm>>
        %dma_wait3A_49 = arith.constant 0 : i32
        %dma_wait3A_50 = tpu.memref_slice %arg4[%add3A_25, %dma_wait3A_49] : memref<2560x128xi32, #tpu.memory_space<hbm>> -> memref<32x128xi32, #tpu.memory_space<hbm>>
        tpu.wait_dma2 semaphore(%run_scoped3A : memref<!tpu.dma_semaphore, #tpu.memory_space<semaphore_mem>>) src(%dma_wait3A_50 : memref<32x128xi32, #tpu.memory_space<hbm>>) dst(%arg9 : memref<32x128xi32, #tpu.memory_space<vmem>>)
        tpu.yield
      }) : () -> ()
      %dma_start3A = arith.constant 0 : i32
      %dma_start3A_26 = arith.constant 0 : i32
      %dma_start3A_27 = tpu.memref_slice %arg8[%dma_start3A, %dma_start3A_26] : memref<32x128xi32, #tpu.memory_space<vmem>> -> memref<1x128xi32, #tpu.memory_space<vmem>>
      %dma_start3A_28 = tpu.memref_squeeze %dma_start3A_27 : memref<1x128xi32, #tpu.memory_space<vmem>> -> memref<128xi32, #tpu.memory_space<vmem>>
      %dma_start3A_29 = arith.constant 0 : i32
      %dma_start3A_30 = arith.constant 0 : i32
      %dma_start3A_31 = tpu.memref_slice %arg2[%dma_start3A_29, %dma_start3A_30] : memref<20224x128xf32, #tpu.memory_space<hbm>> -> memref<20224x128xf32, #tpu.memory_space<hbm>>
      tpu.enqueue_indirect_dma source(%dma_start3A_31 : memref<20224x128xf32, #tpu.memory_space<hbm>>) target(%arg10 : memref<128x128xf32, #tpu.memory_space<vmem>>) offsets(%dma_start3A_28 : memref<128xi32, #tpu.memory_space<vmem>>) semaphore(%arg12 : memref<!tpu.dma_semaphore, #tpu.memory_space<semaphore_mem>>)
      %scan3A_32 = arith.constant 0 : i32
      %scan3A_33 = arith.constant 0 : i32
      %scan3A_34 = arith.constant 16 : i32
      %scan3A_35 = arith.addi %scan3A_33, %scan3A_34 : i32
      %scan3A_36 = arith.constant 1 : i32
      scf.for %scan3A_43 = %scan3A_33 to %scan3A_35 step %scan3A_36  : i32 {
        %mul3A_44 = arith.constant 2 : i32
        %mul3A_45 = arith.muli %mul3A_44, %scan3A_43 : i32
        %add3A_46 = arith.constant 1 : i32
        %add3A_47 = arith.addi %mul3A_45, %add3A_46 : i32
        %dma_start3A_48 = arith.constant 0 : i32
        %dma_start3A_49 = tpu.memref_slice %arg8[%add3A_47, %dma_start3A_48] : memref<32x128xi32, #tpu.memory_space<vmem>> -> memref<1x128xi32, #tpu.memory_space<vmem>>
        %dma_start3A_50 = tpu.memref_squeeze %dma_start3A_49 : memref<1x128xi32, #tpu.memory_space<vmem>> -> memref<128xi32, #tpu.memory_space<vmem>>
        %dma_start3A_51 = arith.constant 0 : i32
        %dma_start3A_52 = arith.constant 0 : i32
        %dma_start3A_53 = tpu.memref_slice %arg2[%dma_start3A_51, %dma_start3A_52] : memref<20224x128xf32, #tpu.memory_space<hbm>> -> memref<20224x128xf32, #tpu.memory_space<hbm>>
        tpu.enqueue_indirect_dma source(%dma_start3A_53 : memref<20224x128xf32, #tpu.memory_space<hbm>>) target(%arg11 : memref<128x128xf32, #tpu.memory_space<vmem>>) offsets(%dma_start3A_50 : memref<128xi32, #tpu.memory_space<vmem>>) semaphore(%arg13 : memref<!tpu.dma_semaphore, #tpu.memory_space<semaphore_mem>>)
        %dma_wait3A_54 = arith.constant 0 : i32
        %dma_wait3A_55 = arith.constant 0 : i32
        %dma_wait3A_56 = tpu.memref_slice %arg2[%dma_wait3A_54, %dma_wait3A_55] : memref<20224x128xf32, #tpu.memory_space<hbm>> -> memref<128x128xf32, #tpu.memory_space<hbm>>
        %dma_wait3A_57 = arith.constant 0 : i32
        %dma_wait3A_58 = arith.constant 0 : i32
        %dma_wait3A_59 = tpu.memref_slice %arg2[%dma_wait3A_57, %dma_wait3A_58] : memref<20224x128xf32, #tpu.memory_space<hbm>> -> memref<128x128xf32, #tpu.memory_space<hbm>>
        tpu.wait_dma2 semaphore(%arg12 : memref<!tpu.dma_semaphore, #tpu.memory_space<semaphore_mem>>) src(%dma_wait3A_59 : memref<128x128xf32, #tpu.memory_space<hbm>>) dst(%arg10 : memref<128x128xf32, #tpu.memory_space<vmem>>)
        %mul3A_60 = arith.constant 2 : i32
        %mul3A_61 = arith.muli %mul3A_60, %scan3A_43 : i32
        "tpu.region"() ({
          %run_scoped3A = tpu.sem_alloc : memref<!tpu.dma_semaphore, #tpu.memory_space<semaphore_mem>>
          %dma_start3A_83 = arith.constant 0 : i32
          %dma_start3A_84 = tpu.memref_slice %arg9[%mul3A_61, %dma_start3A_83] : memref<32x128xi32, #tpu.memory_space<vmem>> -> memref<1x128xi32, #tpu.memory_space<vmem>>
          %dma_start3A_85 = tpu.memref_squeeze %dma_start3A_84 : memref<1x128xi32, #tpu.memory_space<vmem>> -> memref<128xi32, #tpu.memory_space<vmem>>
          %dma_start3A_86 = arith.constant 0 : i32
          %dma_start3A_87 = arith.constant 0 : i32
          %dma_start3A_88 = tpu.memref_slice %arg7[%dma_start3A_86, %dma_start3A_87] : memref<10112x128xf32, #tpu.memory_space<vmem_shared>> -> memref<10112x128xf32, #tpu.memory_space<vmem_shared>>
          tpu.enqueue_indirect_dma source(%arg10 : memref<128x128xf32, #tpu.memory_space<vmem>>) target(%dma_start3A_88 : memref<10112x128xf32, #tpu.memory_space<vmem_shared>>) offsets(%dma_start3A_85 : memref<128xi32, #tpu.memory_space<vmem>>) semaphore(%run_scoped3A : memref<!tpu.dma_semaphore, #tpu.memory_space<semaphore_mem>>) {add = true}
          %dma_wait3A_89 = arith.constant 0 : i32
          %dma_wait3A_90 = tpu.memref_slice %arg9[%mul3A_61, %dma_wait3A_89] : memref<32x128xi32, #tpu.memory_space<vmem>> -> memref<1x128xi32, #tpu.memory_space<vmem>>
          %dma_wait3A_91 = tpu.memref_squeeze %dma_wait3A_90 : memref<1x128xi32, #tpu.memory_space<vmem>> -> memref<128xi32, #tpu.memory_space<vmem>>
          %dma_wait3A_92 = arith.constant 0 : i32
          %dma_wait3A_93 = arith.constant 0 : i32
          %dma_wait3A_94 = tpu.memref_slice %arg7[%dma_wait3A_92, %dma_wait3A_93] : memref<10112x128xf32, #tpu.memory_space<vmem_shared>> -> memref<10112x128xf32, #tpu.memory_space<vmem_shared>>
          tpu.wait_indirect_dma semaphore(%run_scoped3A : memref<!tpu.dma_semaphore, #tpu.memory_space<semaphore_mem>>) src(%arg10 : memref<128x128xf32, #tpu.memory_space<vmem>>) dst(%dma_wait3A_94 : memref<10112x128xf32, #tpu.memory_space<vmem_shared>>)
          tpu.yield
        }) : () -> ()
        %mul3A_62 = arith.constant 2 : i32
        %mul3A_63 = arith.muli %mul3A_62, %scan3A_43 : i32
        %add3A_64 = arith.constant 2 : i32
        %add3A_65 = arith.addi %mul3A_63, %add3A_64 : i32
        %min3A = arith.constant 31 : i32
        %min3A_66 = arith.minsi %add3A_65, %min3A : i32
        %dma_start3A_67 = arith.constant 0 : i32
        %dma_start3A_68 = tpu.memref_slice %arg8[%min3A_66, %dma_start3A_67] : memref<32x128xi32, #tpu.memory_space<vmem>> -> memref<1x128xi32, #tpu.memory_space<vmem>>
        %dma_start3A_69 = tpu.memref_squeeze %dma_start3A_68 : memref<1x128xi32, #tpu.memory_space<vmem>> -> memref<128xi32, #tpu.memory_space<vmem>>
        %dma_start3A_70 = arith.constant 0 : i32
        %dma_start3A_71 = arith.constant 0 : i32
        %dma_start3A_72 = tpu.memref_slice %arg2[%dma_start3A_70, %dma_start3A_71] : memref<20224x128xf32, #tpu.memory_space<hbm>> -> memref<20224x128xf32, #tpu.memory_space<hbm>>
        tpu.enqueue_indirect_dma source(%dma_start3A_72 : memref<20224x128xf32, #tpu.memory_space<hbm>>) target(%arg10 : memref<128x128xf32, #tpu.memory_space<vmem>>) offsets(%dma_start3A_69 : memref<128xi32, #tpu.memory_space<vmem>>) semaphore(%arg12 : memref<!tpu.dma_semaphore, #tpu.memory_space<semaphore_mem>>)
        %dma_wait3A_73 = arith.constant 0 : i32
        %dma_wait3A_74 = arith.constant 0 : i32
        %dma_wait3A_75 = tpu.memref_slice %arg2[%dma_wait3A_73, %dma_wait3A_74] : memref<20224x128xf32, #tpu.memory_space<hbm>> -> memref<128x128xf32, #tpu.memory_space<hbm>>
        %dma_wait3A_76 = arith.constant 0 : i32
        %dma_wait3A_77 = arith.constant 0 : i32
        %dma_wait3A_78 = tpu.memref_slice %arg2[%dma_wait3A_76, %dma_wait3A_77] : memref<20224x128xf32, #tpu.memory_space<hbm>> -> memref<128x128xf32, #tpu.memory_space<hbm>>
        tpu.wait_dma2 semaphore(%arg13 : memref<!tpu.dma_semaphore, #tpu.memory_space<semaphore_mem>>) src(%dma_wait3A_78 : memref<128x128xf32, #tpu.memory_space<hbm>>) dst(%arg11 : memref<128x128xf32, #tpu.memory_space<vmem>>)
        %mul3A_79 = arith.constant 2 : i32
        %mul3A_80 = arith.muli %mul3A_79, %scan3A_43 : i32
        %add3A_81 = arith.constant 1 : i32
        %add3A_82 = arith.addi %mul3A_80, %add3A_81 : i32
        "tpu.region"() ({
          %run_scoped3A = tpu.sem_alloc : memref<!tpu.dma_semaphore, #tpu.memory_space<semaphore_mem>>
          %dma_start3A_83 = arith.constant 0 : i32
          %dma_start3A_84 = tpu.memref_slice %arg9[%add3A_82, %dma_start3A_83] : memref<32x128xi32, #tpu.memory_space<vmem>> -> memref<1x128xi32, #tpu.memory_space<vmem>>
          %dma_start3A_85 = tpu.memref_squeeze %dma_start3A_84 : memref<1x128xi32, #tpu.memory_space<vmem>> -> memref<128xi32, #tpu.memory_space<vmem>>
          %dma_start3A_86 = arith.constant 0 : i32
          %dma_start3A_87 = arith.constant 0 : i32
          %dma_start3A_88 = tpu.memref_slice %arg7[%dma_start3A_86, %dma_start3A_87] : memref<10112x128xf32, #tpu.memory_space<vmem_shared>> -> memref<10112x128xf32, #tpu.memory_space<vmem_shared>>
          tpu.enqueue_indirect_dma source(%arg11 : memref<128x128xf32, #tpu.memory_space<vmem>>) target(%dma_start3A_88 : memref<10112x128xf32, #tpu.memory_space<vmem_shared>>) offsets(%dma_start3A_85 : memref<128xi32, #tpu.memory_space<vmem>>) semaphore(%run_scoped3A : memref<!tpu.dma_semaphore, #tpu.memory_space<semaphore_mem>>) {add = true}
          %dma_wait3A_89 = arith.constant 0 : i32
          %dma_wait3A_90 = tpu.memref_slice %arg9[%add3A_82, %dma_wait3A_89] : memref<32x128xi32, #tpu.memory_space<vmem>> -> memref<1x128xi32, #tpu.memory_space<vmem>>
          %dma_wait3A_91 = tpu.memref_squeeze %dma_wait3A_90 : memref<1x128xi32, #tpu.memory_space<vmem>> -> memref<128xi32, #tpu.memory_space<vmem>>
          %dma_wait3A_92 = arith.constant 0 : i32
          %dma_wait3A_93 = arith.constant 0 : i32
          %dma_wait3A_94 = tpu.memref_slice %arg7[%dma_wait3A_92, %dma_wait3A_93] : memref<10112x128xf32, #tpu.memory_space<vmem_shared>> -> memref<10112x128xf32, #tpu.memory_space<vmem_shared>>
          tpu.wait_indirect_dma semaphore(%run_scoped3A : memref<!tpu.dma_semaphore, #tpu.memory_space<semaphore_mem>>) src(%arg11 : memref<128x128xf32, #tpu.memory_space<vmem>>) dst(%dma_wait3A_94 : memref<10112x128xf32, #tpu.memory_space<vmem_shared>>)
          tpu.yield
        }) : () -> ()
      }
      %scan3A_37 = arith.constant 16 : i32
      %dma_wait3A = arith.constant 0 : i32
      %dma_wait3A_38 = arith.constant 0 : i32
      %dma_wait3A_39 = tpu.memref_slice %arg2[%dma_wait3A, %dma_wait3A_38] : memref<20224x128xf32, #tpu.memory_space<hbm>> -> memref<128x128xf32, #tpu.memory_space<hbm>>
      %dma_wait3A_40 = arith.constant 0 : i32
      %dma_wait3A_41 = arith.constant 0 : i32
      %dma_wait3A_42 = tpu.memref_slice %arg2[%dma_wait3A_40, %dma_wait3A_41] : memref<20224x128xf32, #tpu.memory_space<hbm>> -> memref<128x128xf32, #tpu.memory_space<hbm>>
      tpu.wait_dma2 semaphore(%arg12 : memref<!tpu.dma_semaphore, #tpu.memory_space<semaphore_mem>>) src(%dma_wait3A_42 : memref<128x128xf32, #tpu.memory_space<hbm>>) dst(%arg10 : memref<128x128xf32, #tpu.memory_space<vmem>>)
    }
    %scan3A_13 = arith.constant 5 : i32
    %barrier3A_14 = arith.constant 0 : index
    tpu.barrier barrier_id(%barrier3A_14)
    %mul3A_15 = arith.constant 632 : i32
    %mul3A_16 = arith.muli %arg1, %mul3A_15 : i32
    %mul3A_17 = arith.constant 632 : i32
    %mul3A_18 = arith.muli %arg1, %mul3A_17 : i32
    "tpu.region"() ({
      %run_scoped3A = tpu.sem_alloc : memref<!tpu.dma_semaphore, #tpu.memory_space<semaphore_mem>>
      %dma_start3A = arith.constant 0 : i32
      %dma_start3A_19 = tpu.memref_slice %arg6[%arg0, %mul3A_18, %dma_start3A] : memref<2x10112x128xf32, #tpu.memory_space<hbm>> -> memref<1x632x128xf32, #tpu.memory_space<hbm>>
      %dma_start3A_20 = tpu.memref_squeeze %dma_start3A_19 : memref<1x632x128xf32, #tpu.memory_space<hbm>> -> memref<632x128xf32, #tpu.memory_space<hbm>>
      %dma_start3A_21 = arith.constant 0 : i32
      %dma_start3A_22 = tpu.memref_slice %arg7[%mul3A_16, %dma_start3A_21] : memref<10112x128xf32, #tpu.memory_space<vmem_shared>> -> memref<632x128xf32, #tpu.memory_space<vmem_shared>>
      tpu.enqueue_dma source(%dma_start3A_22 : memref<632x128xf32, #tpu.memory_space<vmem_shared>>) target(%dma_start3A_20 : memref<632x128xf32, #tpu.memory_space<hbm>>) target_semaphore(%run_scoped3A : memref<!tpu.dma_semaphore, #tpu.memory_space<semaphore_mem>>)
      %dma_wait3A = arith.constant 0 : i32
      %dma_wait3A_23 = tpu.memref_slice %arg6[%arg0, %mul3A_18, %dma_wait3A] : memref<2x10112x128xf32, #tpu.memory_space<hbm>> -> memref<1x632x128xf32, #tpu.memory_space<hbm>>
      %dma_wait3A_24 = tpu.memref_squeeze %dma_wait3A_23 : memref<1x632x128xf32, #tpu.memory_space<hbm>> -> memref<632x128xf32, #tpu.memory_space<hbm>>
      %dma_wait3A_25 = arith.constant 0 : i32
      %dma_wait3A_26 = tpu.memref_slice %arg7[%mul3A_16, %dma_wait3A_25] : memref<10112x128xf32, #tpu.memory_space<vmem_shared>> -> memref<632x128xf32, #tpu.memory_space<vmem_shared>>
      tpu.wait_dma2 semaphore(%run_scoped3A : memref<!tpu.dma_semaphore, #tpu.memory_space<semaphore_mem>>) src(%dma_wait3A_26 : memref<632x128xf32, #tpu.memory_space<vmem_shared>>) dst(%dma_wait3A_24 : memref<632x128xf32, #tpu.memory_space<hbm>>)
      tpu.yield
    }) : () -> ()
    return
  }
}

#map = affine_map<(d0, d1) -> (0, 0)>
#map1 = affine_map<(d0, d1) -> (0, 0, 0)>
module attributes {stable_mosaic.version = 14 : i64} {
  func.func @k(%arg0: i32, %arg1: i32, %arg2: memref<10112x128xf32, #tpu.memory_space<hbm>>, %arg3: memref<2560x128xi32, #tpu.memory_space<hbm>>, %arg4: memref<2560x128xi32, #tpu.memory_space<hbm>>, %arg5: memref<10112x128xf32, #tpu.memory_space<hbm>>, %arg6: memref<2x10112x128xf32, #tpu.memory_space<hbm>>, %arg7: memref<10112x128xf32, #tpu.memory_space<vmem_shared>>, %arg8: memref<16x128xi32, #tpu.memory_space<vmem>>, %arg9: memref<16x128xi32, #tpu.memory_space<vmem>>, %arg10: memref<128x128xf32, #tpu.memory_space<vmem>>, %arg11: memref<128x128xf32, #tpu.memory_space<vmem>>, %arg12: memref<!tpu.dma_semaphore, #tpu.memory_space<semaphore_mem>>, %arg13: memref<!tpu.dma_semaphore, #tpu.memory_space<semaphore_mem>>) attributes {dimension_semantics = [#tpu.dimension_semantics<core_parallel>, #tpu.dimension_semantics<subcore_parallel>], iteration_bounds = array<i64: 2, 16>, scalar_prefetch = 0 : i64, scratch_operands = 7 : i64, tpu.core_type = #tpu.core_type<sc_vector_subcore>, window_params = [{transform_indices = #map}, {transform_indices = #map}, {transform_indices = #map}, {transform_indices = #map}, {transform_indices = #map1}]} {
    %mul3A = arith.constant 16 : i32
    %mul3A_0 = arith.muli %arg0, %mul3A : i32
    %add3A = arith.addi %mul3A_0, %arg1 : i32
    %mul3A_1 = arith.constant 632 : i32
    %mul3A_2 = arith.muli %arg1, %mul3A_1 : i32
    %mul3A_3 = arith.constant 632 : i32
    %mul3A_4 = arith.muli %arg1, %mul3A_3 : i32
    "tpu.region"() ({
      %run_scoped3A = tpu.sem_alloc : memref<!tpu.dma_semaphore, #tpu.memory_space<semaphore_mem>>
      %dma_start3A = arith.constant 0 : i32
      %dma_start3A_17 = tpu.memref_slice %arg7[%mul3A_4, %dma_start3A] : memref<10112x128xf32, #tpu.memory_space<vmem_shared>> -> memref<632x128xf32, #tpu.memory_space<vmem_shared>>
      %dma_start3A_18 = arith.constant 0 : i32
      %dma_start3A_19 = tpu.memref_slice %arg5[%mul3A_2, %dma_start3A_18] : memref<10112x128xf32, #tpu.memory_space<hbm>> -> memref<632x128xf32, #tpu.memory_space<hbm>>
      tpu.enqueue_dma source(%dma_start3A_19 : memref<632x128xf32, #tpu.memory_space<hbm>>) target(%dma_start3A_17 : memref<632x128xf32, #tpu.memory_space<vmem_shared>>) target_semaphore(%run_scoped3A : memref<!tpu.dma_semaphore, #tpu.memory_space<semaphore_mem>>)
      %dma_wait3A = arith.constant 0 : i32
      %dma_wait3A_20 = tpu.memref_slice %arg7[%mul3A_4, %dma_wait3A] : memref<10112x128xf32, #tpu.memory_space<vmem_shared>> -> memref<632x128xf32, #tpu.memory_space<vmem_shared>>
      %dma_wait3A_21 = arith.constant 0 : i32
      %dma_wait3A_22 = tpu.memref_slice %arg5[%mul3A_2, %dma_wait3A_21] : memref<10112x128xf32, #tpu.memory_space<hbm>> -> memref<632x128xf32, #tpu.memory_space<hbm>>
      tpu.wait_dma2 semaphore(%run_scoped3A : memref<!tpu.dma_semaphore, #tpu.memory_space<semaphore_mem>>) src(%dma_wait3A_22 : memref<632x128xf32, #tpu.memory_space<hbm>>) dst(%dma_wait3A_20 : memref<632x128xf32, #tpu.memory_space<vmem_shared>>)
      tpu.yield
    }) : () -> ()
    %barrier3A = arith.constant 0 : index
    tpu.barrier barrier_id(%barrier3A)
    %mul3A_5 = arith.constant 80 : i32
    %mul3A_6 = arith.muli %add3A, %mul3A_5 : i32
    %scan3A = arith.constant 0 : i32
    %scan3A_7 = arith.constant 0 : i32
    %scan3A_8 = arith.constant 5 : i32
    %scan3A_9 = arith.addi %scan3A_7, %scan3A_8 : i32
    %scan3A_10 = arith.constant 1 : i32
    scf.for %scan3A_17 = %scan3A_7 to %scan3A_9 step %scan3A_10  : i32 {
      %mul3A_18 = arith.constant 16 : i32
      %mul3A_19 = arith.muli %scan3A_17, %mul3A_18 : i32
      %add3A_20 = arith.addi %mul3A_6, %mul3A_19 : i32
      "tpu.region"() ({
        %run_scoped3A = tpu.sem_alloc : memref<!tpu.dma_semaphore, #tpu.memory_space<semaphore_mem>>
        %dma_start3A_41 = arith.constant 0 : i32
        %dma_start3A_42 = tpu.memref_slice %arg3[%add3A_20, %dma_start3A_41] : memref<2560x128xi32, #tpu.memory_space<hbm>> -> memref<16x128xi32, #tpu.memory_space<hbm>>
        %dma_start3A_43 = arith.constant 0 : i32
        %dma_start3A_44 = tpu.memref_slice %arg3[%add3A_20, %dma_start3A_43] : memref<2560x128xi32, #tpu.memory_space<hbm>> -> memref<16x128xi32, #tpu.memory_space<hbm>>
        tpu.enqueue_dma source(%dma_start3A_44 : memref<16x128xi32, #tpu.memory_space<hbm>>) target(%arg8 : memref<16x128xi32, #tpu.memory_space<vmem>>) target_semaphore(%run_scoped3A : memref<!tpu.dma_semaphore, #tpu.memory_space<semaphore_mem>>)
        %dma_wait3A_45 = arith.constant 0 : i32
        %dma_wait3A_46 = tpu.memref_slice %arg3[%add3A_20, %dma_wait3A_45] : memref<2560x128xi32, #tpu.memory_space<hbm>> -> memref<16x128xi32, #tpu.memory_space<hbm>>
        %dma_wait3A_47 = arith.constant 0 : i32
        %dma_wait3A_48 = tpu.memref_slice %arg3[%add3A_20, %dma_wait3A_47] : memref<2560x128xi32, #tpu.memory_space<hbm>> -> memref<16x128xi32, #tpu.memory_space<hbm>>
        tpu.wait_dma2 semaphore(%run_scoped3A : memref<!tpu.dma_semaphore, #tpu.memory_space<semaphore_mem>>) src(%dma_wait3A_48 : memref<16x128xi32, #tpu.memory_space<hbm>>) dst(%arg8 : memref<16x128xi32, #tpu.memory_space<vmem>>)
        tpu.yield
      }) : () -> ()
      %mul3A_21 = arith.constant 16 : i32
      %mul3A_22 = arith.muli %scan3A_17, %mul3A_21 : i32
      %add3A_23 = arith.addi %mul3A_6, %mul3A_22 : i32
      "tpu.region"() ({
        %run_scoped3A = tpu.sem_alloc : memref<!tpu.dma_semaphore, #tpu.memory_space<semaphore_mem>>
        %dma_start3A_41 = arith.constant 0 : i32
        %dma_start3A_42 = tpu.memref_slice %arg4[%add3A_23, %dma_start3A_41] : memref<2560x128xi32, #tpu.memory_space<hbm>> -> memref<16x128xi32, #tpu.memory_space<hbm>>
        %dma_start3A_43 = arith.constant 0 : i32
        %dma_start3A_44 = tpu.memref_slice %arg4[%add3A_23, %dma_start3A_43] : memref<2560x128xi32, #tpu.memory_space<hbm>> -> memref<16x128xi32, #tpu.memory_space<hbm>>
        tpu.enqueue_dma source(%dma_start3A_44 : memref<16x128xi32, #tpu.memory_space<hbm>>) target(%arg9 : memref<16x128xi32, #tpu.memory_space<vmem>>) target_semaphore(%run_scoped3A : memref<!tpu.dma_semaphore, #tpu.memory_space<semaphore_mem>>)
        %dma_wait3A_45 = arith.constant 0 : i32
        %dma_wait3A_46 = tpu.memref_slice %arg4[%add3A_23, %dma_wait3A_45] : memref<2560x128xi32, #tpu.memory_space<hbm>> -> memref<16x128xi32, #tpu.memory_space<hbm>>
        %dma_wait3A_47 = arith.constant 0 : i32
        %dma_wait3A_48 = tpu.memref_slice %arg4[%add3A_23, %dma_wait3A_47] : memref<2560x128xi32, #tpu.memory_space<hbm>> -> memref<16x128xi32, #tpu.memory_space<hbm>>
        tpu.wait_dma2 semaphore(%run_scoped3A : memref<!tpu.dma_semaphore, #tpu.memory_space<semaphore_mem>>) src(%dma_wait3A_48 : memref<16x128xi32, #tpu.memory_space<hbm>>) dst(%arg9 : memref<16x128xi32, #tpu.memory_space<vmem>>)
        tpu.yield
      }) : () -> ()
      %dma_start3A = arith.constant 0 : i32
      %dma_start3A_24 = arith.constant 0 : i32
      %dma_start3A_25 = tpu.memref_slice %arg8[%dma_start3A, %dma_start3A_24] : memref<16x128xi32, #tpu.memory_space<vmem>> -> memref<1x128xi32, #tpu.memory_space<vmem>>
      %dma_start3A_26 = tpu.memref_squeeze %dma_start3A_25 : memref<1x128xi32, #tpu.memory_space<vmem>> -> memref<128xi32, #tpu.memory_space<vmem>>
      %dma_start3A_27 = arith.constant 0 : i32
      %dma_start3A_28 = arith.constant 0 : i32
      %dma_start3A_29 = tpu.memref_slice %arg2[%dma_start3A_27, %dma_start3A_28] : memref<10112x128xf32, #tpu.memory_space<hbm>> -> memref<10112x128xf32, #tpu.memory_space<hbm>>
      tpu.enqueue_indirect_dma source(%dma_start3A_29 : memref<10112x128xf32, #tpu.memory_space<hbm>>) target(%arg10 : memref<128x128xf32, #tpu.memory_space<vmem>>) offsets(%dma_start3A_26 : memref<128xi32, #tpu.memory_space<vmem>>) semaphore(%arg12 : memref<!tpu.dma_semaphore, #tpu.memory_space<semaphore_mem>>)
      %scan3A_30 = arith.constant 0 : i32
      %scan3A_31 = arith.constant 0 : i32
      %scan3A_32 = arith.constant 8 : i32
      %scan3A_33 = arith.addi %scan3A_31, %scan3A_32 : i32
      %scan3A_34 = arith.constant 1 : i32
      scf.for %scan3A_41 = %scan3A_31 to %scan3A_33 step %scan3A_34  : i32 {
        %mul3A_42 = arith.constant 2 : i32
        %mul3A_43 = arith.muli %mul3A_42, %scan3A_41 : i32
        %add3A_44 = arith.constant 1 : i32
        %add3A_45 = arith.addi %mul3A_43, %add3A_44 : i32
        %dma_start3A_46 = arith.constant 0 : i32
        %dma_start3A_47 = tpu.memref_slice %arg8[%add3A_45, %dma_start3A_46] : memref<16x128xi32, #tpu.memory_space<vmem>> -> memref<1x128xi32, #tpu.memory_space<vmem>>
        %dma_start3A_48 = tpu.memref_squeeze %dma_start3A_47 : memref<1x128xi32, #tpu.memory_space<vmem>> -> memref<128xi32, #tpu.memory_space<vmem>>
        %dma_start3A_49 = arith.constant 0 : i32
        %dma_start3A_50 = arith.constant 0 : i32
        %dma_start3A_51 = tpu.memref_slice %arg2[%dma_start3A_49, %dma_start3A_50] : memref<10112x128xf32, #tpu.memory_space<hbm>> -> memref<10112x128xf32, #tpu.memory_space<hbm>>
        tpu.enqueue_indirect_dma source(%dma_start3A_51 : memref<10112x128xf32, #tpu.memory_space<hbm>>) target(%arg11 : memref<128x128xf32, #tpu.memory_space<vmem>>) offsets(%dma_start3A_48 : memref<128xi32, #tpu.memory_space<vmem>>) semaphore(%arg13 : memref<!tpu.dma_semaphore, #tpu.memory_space<semaphore_mem>>)
        %dma_wait3A_52 = arith.constant 0 : i32
        %dma_wait3A_53 = arith.constant 0 : i32
        %dma_wait3A_54 = tpu.memref_slice %arg2[%dma_wait3A_52, %dma_wait3A_53] : memref<10112x128xf32, #tpu.memory_space<hbm>> -> memref<128x128xf32, #tpu.memory_space<hbm>>
        %dma_wait3A_55 = arith.constant 0 : i32
        %dma_wait3A_56 = arith.constant 0 : i32
        %dma_wait3A_57 = tpu.memref_slice %arg2[%dma_wait3A_55, %dma_wait3A_56] : memref<10112x128xf32, #tpu.memory_space<hbm>> -> memref<128x128xf32, #tpu.memory_space<hbm>>
        tpu.wait_dma2 semaphore(%arg12 : memref<!tpu.dma_semaphore, #tpu.memory_space<semaphore_mem>>) src(%dma_wait3A_57 : memref<128x128xf32, #tpu.memory_space<hbm>>) dst(%arg10 : memref<128x128xf32, #tpu.memory_space<vmem>>)
        %mul3A_58 = arith.constant 2 : i32
        %mul3A_59 = arith.muli %mul3A_58, %scan3A_41 : i32
        "tpu.region"() ({
          %run_scoped3A = tpu.sem_alloc : memref<!tpu.dma_semaphore, #tpu.memory_space<semaphore_mem>>
          %dma_start3A_81 = arith.constant 0 : i32
          %dma_start3A_82 = tpu.memref_slice %arg9[%mul3A_59, %dma_start3A_81] : memref<16x128xi32, #tpu.memory_space<vmem>> -> memref<1x128xi32, #tpu.memory_space<vmem>>
          %dma_start3A_83 = tpu.memref_squeeze %dma_start3A_82 : memref<1x128xi32, #tpu.memory_space<vmem>> -> memref<128xi32, #tpu.memory_space<vmem>>
          %dma_start3A_84 = arith.constant 0 : i32
          %dma_start3A_85 = arith.constant 0 : i32
          %dma_start3A_86 = tpu.memref_slice %arg7[%dma_start3A_84, %dma_start3A_85] : memref<10112x128xf32, #tpu.memory_space<vmem_shared>> -> memref<10112x128xf32, #tpu.memory_space<vmem_shared>>
          tpu.enqueue_indirect_dma source(%arg10 : memref<128x128xf32, #tpu.memory_space<vmem>>) target(%dma_start3A_86 : memref<10112x128xf32, #tpu.memory_space<vmem_shared>>) offsets(%dma_start3A_83 : memref<128xi32, #tpu.memory_space<vmem>>) semaphore(%run_scoped3A : memref<!tpu.dma_semaphore, #tpu.memory_space<semaphore_mem>>) {add = true}
          %dma_wait3A_87 = arith.constant 0 : i32
          %dma_wait3A_88 = tpu.memref_slice %arg9[%mul3A_59, %dma_wait3A_87] : memref<16x128xi32, #tpu.memory_space<vmem>> -> memref<1x128xi32, #tpu.memory_space<vmem>>
          %dma_wait3A_89 = tpu.memref_squeeze %dma_wait3A_88 : memref<1x128xi32, #tpu.memory_space<vmem>> -> memref<128xi32, #tpu.memory_space<vmem>>
          %dma_wait3A_90 = arith.constant 0 : i32
          %dma_wait3A_91 = arith.constant 0 : i32
          %dma_wait3A_92 = tpu.memref_slice %arg7[%dma_wait3A_90, %dma_wait3A_91] : memref<10112x128xf32, #tpu.memory_space<vmem_shared>> -> memref<10112x128xf32, #tpu.memory_space<vmem_shared>>
          tpu.wait_indirect_dma semaphore(%run_scoped3A : memref<!tpu.dma_semaphore, #tpu.memory_space<semaphore_mem>>) src(%arg10 : memref<128x128xf32, #tpu.memory_space<vmem>>) dst(%dma_wait3A_92 : memref<10112x128xf32, #tpu.memory_space<vmem_shared>>)
          tpu.yield
        }) : () -> ()
        %mul3A_60 = arith.constant 2 : i32
        %mul3A_61 = arith.muli %mul3A_60, %scan3A_41 : i32
        %add3A_62 = arith.constant 2 : i32
        %add3A_63 = arith.addi %mul3A_61, %add3A_62 : i32
        %min3A = arith.constant 15 : i32
        %min3A_64 = arith.minsi %add3A_63, %min3A : i32
        %dma_start3A_65 = arith.constant 0 : i32
        %dma_start3A_66 = tpu.memref_slice %arg8[%min3A_64, %dma_start3A_65] : memref<16x128xi32, #tpu.memory_space<vmem>> -> memref<1x128xi32, #tpu.memory_space<vmem>>
        %dma_start3A_67 = tpu.memref_squeeze %dma_start3A_66 : memref<1x128xi32, #tpu.memory_space<vmem>> -> memref<128xi32, #tpu.memory_space<vmem>>
        %dma_start3A_68 = arith.constant 0 : i32
        %dma_start3A_69 = arith.constant 0 : i32
        %dma_start3A_70 = tpu.memref_slice %arg2[%dma_start3A_68, %dma_start3A_69] : memref<10112x128xf32, #tpu.memory_space<hbm>> -> memref<10112x128xf32, #tpu.memory_space<hbm>>
        tpu.enqueue_indirect_dma source(%dma_start3A_70 : memref<10112x128xf32, #tpu.memory_space<hbm>>) target(%arg10 : memref<128x128xf32, #tpu.memory_space<vmem>>) offsets(%dma_start3A_67 : memref<128xi32, #tpu.memory_space<vmem>>) semaphore(%arg12 : memref<!tpu.dma_semaphore, #tpu.memory_space<semaphore_mem>>)
        %dma_wait3A_71 = arith.constant 0 : i32
        %dma_wait3A_72 = arith.constant 0 : i32
        %dma_wait3A_73 = tpu.memref_slice %arg2[%dma_wait3A_71, %dma_wait3A_72] : memref<10112x128xf32, #tpu.memory_space<hbm>> -> memref<128x128xf32, #tpu.memory_space<hbm>>
        %dma_wait3A_74 = arith.constant 0 : i32
        %dma_wait3A_75 = arith.constant 0 : i32
        %dma_wait3A_76 = tpu.memref_slice %arg2[%dma_wait3A_74, %dma_wait3A_75] : memref<10112x128xf32, #tpu.memory_space<hbm>> -> memref<128x128xf32, #tpu.memory_space<hbm>>
        tpu.wait_dma2 semaphore(%arg13 : memref<!tpu.dma_semaphore, #tpu.memory_space<semaphore_mem>>) src(%dma_wait3A_76 : memref<128x128xf32, #tpu.memory_space<hbm>>) dst(%arg11 : memref<128x128xf32, #tpu.memory_space<vmem>>)
        %mul3A_77 = arith.constant 2 : i32
        %mul3A_78 = arith.muli %mul3A_77, %scan3A_41 : i32
        %add3A_79 = arith.constant 1 : i32
        %add3A_80 = arith.addi %mul3A_78, %add3A_79 : i32
        "tpu.region"() ({
          %run_scoped3A = tpu.sem_alloc : memref<!tpu.dma_semaphore, #tpu.memory_space<semaphore_mem>>
          %dma_start3A_81 = arith.constant 0 : i32
          %dma_start3A_82 = tpu.memref_slice %arg9[%add3A_80, %dma_start3A_81] : memref<16x128xi32, #tpu.memory_space<vmem>> -> memref<1x128xi32, #tpu.memory_space<vmem>>
          %dma_start3A_83 = tpu.memref_squeeze %dma_start3A_82 : memref<1x128xi32, #tpu.memory_space<vmem>> -> memref<128xi32, #tpu.memory_space<vmem>>
          %dma_start3A_84 = arith.constant 0 : i32
          %dma_start3A_85 = arith.constant 0 : i32
          %dma_start3A_86 = tpu.memref_slice %arg7[%dma_start3A_84, %dma_start3A_85] : memref<10112x128xf32, #tpu.memory_space<vmem_shared>> -> memref<10112x128xf32, #tpu.memory_space<vmem_shared>>
          tpu.enqueue_indirect_dma source(%arg11 : memref<128x128xf32, #tpu.memory_space<vmem>>) target(%dma_start3A_86 : memref<10112x128xf32, #tpu.memory_space<vmem_shared>>) offsets(%dma_start3A_83 : memref<128xi32, #tpu.memory_space<vmem>>) semaphore(%run_scoped3A : memref<!tpu.dma_semaphore, #tpu.memory_space<semaphore_mem>>) {add = true}
          %dma_wait3A_87 = arith.constant 0 : i32
          %dma_wait3A_88 = tpu.memref_slice %arg9[%add3A_80, %dma_wait3A_87] : memref<16x128xi32, #tpu.memory_space<vmem>> -> memref<1x128xi32, #tpu.memory_space<vmem>>
          %dma_wait3A_89 = tpu.memref_squeeze %dma_wait3A_88 : memref<1x128xi32, #tpu.memory_space<vmem>> -> memref<128xi32, #tpu.memory_space<vmem>>
          %dma_wait3A_90 = arith.constant 0 : i32
          %dma_wait3A_91 = arith.constant 0 : i32
          %dma_wait3A_92 = tpu.memref_slice %arg7[%dma_wait3A_90, %dma_wait3A_91] : memref<10112x128xf32, #tpu.memory_space<vmem_shared>> -> memref<10112x128xf32, #tpu.memory_space<vmem_shared>>
          tpu.wait_indirect_dma semaphore(%run_scoped3A : memref<!tpu.dma_semaphore, #tpu.memory_space<semaphore_mem>>) src(%arg11 : memref<128x128xf32, #tpu.memory_space<vmem>>) dst(%dma_wait3A_92 : memref<10112x128xf32, #tpu.memory_space<vmem_shared>>)
          tpu.yield
        }) : () -> ()
      }
      %scan3A_35 = arith.constant 8 : i32
      %dma_wait3A = arith.constant 0 : i32
      %dma_wait3A_36 = arith.constant 0 : i32
      %dma_wait3A_37 = tpu.memref_slice %arg2[%dma_wait3A, %dma_wait3A_36] : memref<10112x128xf32, #tpu.memory_space<hbm>> -> memref<128x128xf32, #tpu.memory_space<hbm>>
      %dma_wait3A_38 = arith.constant 0 : i32
      %dma_wait3A_39 = arith.constant 0 : i32
      %dma_wait3A_40 = tpu.memref_slice %arg2[%dma_wait3A_38, %dma_wait3A_39] : memref<10112x128xf32, #tpu.memory_space<hbm>> -> memref<128x128xf32, #tpu.memory_space<hbm>>
      tpu.wait_dma2 semaphore(%arg12 : memref<!tpu.dma_semaphore, #tpu.memory_space<semaphore_mem>>) src(%dma_wait3A_40 : memref<128x128xf32, #tpu.memory_space<hbm>>) dst(%arg10 : memref<128x128xf32, #tpu.memory_space<vmem>>)
    }
    %scan3A_11 = arith.constant 5 : i32
    %barrier3A_12 = arith.constant 0 : index
    tpu.barrier barrier_id(%barrier3A_12)
    %mul3A_13 = arith.constant 632 : i32
    %mul3A_14 = arith.muli %arg1, %mul3A_13 : i32
    %mul3A_15 = arith.constant 632 : i32
    %mul3A_16 = arith.muli %arg1, %mul3A_15 : i32
    "tpu.region"() ({
      %run_scoped3A = tpu.sem_alloc : memref<!tpu.dma_semaphore, #tpu.memory_space<semaphore_mem>>
      %dma_start3A = arith.constant 0 : i32
      %dma_start3A_17 = tpu.memref_slice %arg6[%arg0, %mul3A_16, %dma_start3A] : memref<2x10112x128xf32, #tpu.memory_space<hbm>> -> memref<1x632x128xf32, #tpu.memory_space<hbm>>
      %dma_start3A_18 = tpu.memref_squeeze %dma_start3A_17 : memref<1x632x128xf32, #tpu.memory_space<hbm>> -> memref<632x128xf32, #tpu.memory_space<hbm>>
      %dma_start3A_19 = arith.constant 0 : i32
      %dma_start3A_20 = tpu.memref_slice %arg7[%mul3A_14, %dma_start3A_19] : memref<10112x128xf32, #tpu.memory_space<vmem_shared>> -> memref<632x128xf32, #tpu.memory_space<vmem_shared>>
      tpu.enqueue_dma source(%dma_start3A_20 : memref<632x128xf32, #tpu.memory_space<vmem_shared>>) target(%dma_start3A_18 : memref<632x128xf32, #tpu.memory_space<hbm>>) target_semaphore(%run_scoped3A : memref<!tpu.dma_semaphore, #tpu.memory_space<semaphore_mem>>)
      %dma_wait3A = arith.constant 0 : i32
      %dma_wait3A_21 = tpu.memref_slice %arg6[%arg0, %mul3A_16, %dma_wait3A] : memref<2x10112x128xf32, #tpu.memory_space<hbm>> -> memref<1x632x128xf32, #tpu.memory_space<hbm>>
      %dma_wait3A_22 = tpu.memref_squeeze %dma_wait3A_21 : memref<1x632x128xf32, #tpu.memory_space<hbm>> -> memref<632x128xf32, #tpu.memory_space<hbm>>
      %dma_wait3A_23 = arith.constant 0 : i32
      %dma_wait3A_24 = tpu.memref_slice %arg7[%mul3A_14, %dma_wait3A_23] : memref<10112x128xf32, #tpu.memory_space<vmem_shared>> -> memref<632x128xf32, #tpu.memory_space<vmem_shared>>
      tpu.wait_dma2 semaphore(%run_scoped3A : memref<!tpu.dma_semaphore, #tpu.memory_space<semaphore_mem>>) src(%dma_wait3A_24 : memref<632x128xf32, #tpu.memory_space<vmem_shared>>) dst(%dma_wait3A_22 : memref<632x128xf32, #tpu.memory_space<hbm>>)
      tpu.yield
    }) : () -> ()
    return
  }
}

module attributes {stable_mosaic.version = 14 : i64} {
  func.func @body(%arg0: i32, %arg1: memref<1000x128xf32, #tpu.memory_space<vmem>>, %arg2: memref<128x512xf32, #tpu.memory_space<vmem>>, %arg3: memref<512xf32, #tpu.memory_space<vmem>>, %arg4: memref<512xf32, #tpu.memory_space<vmem>>, %arg5: memref<512xf32, #tpu.memory_space<vmem>>, %arg6: memref<512x128xf32, #tpu.memory_space<vmem>>, %arg7: memref<512x128xf32, #tpu.memory_space<vmem>>, %arg8: memref<512x256xf32, #tpu.memory_space<vmem>>, %arg9: memref<1000x128xf32, #tpu.memory_space<vmem>>, %arg10: memref<1000x128xf32, #tpu.memory_space<vmem>>, %arg11: memref<1000x256xf32, #tpu.memory_space<vmem>>) attributes {dimension_semantics = [#tpu.dimension_semantics<arbitrary>], iteration_bounds = array<i64: 10>, scalar_prefetch = 0 : i64, scratch_operands = 0 : i64, tpu.core_type = #tpu.core_type<tc>, window_params = [{transform_indices = @transform_0, window_bounds = array<i64: 1000, 128>}, {pipeline_mode = #tpu.pipeline_mode<synchronous>, transform_indices = @transform_1, window_bounds = array<i64: 128, 512>}, {pipeline_mode = #tpu.pipeline_mode<synchronous>, transform_indices = @transform_2, window_bounds = array<i64: 512>}, {pipeline_mode = #tpu.pipeline_mode<synchronous>, transform_indices = @transform_3, window_bounds = array<i64: 512>}, {pipeline_mode = #tpu.pipeline_mode<synchronous>, transform_indices = @transform_4, window_bounds = array<i64: 512>}, {pipeline_mode = #tpu.pipeline_mode<synchronous>, transform_indices = @transform_5, window_bounds = array<i64: 512, 128>}, {pipeline_mode = #tpu.pipeline_mode<synchronous>, transform_indices = @transform_6, window_bounds = array<i64: 512, 128>}, {pipeline_mode = #tpu.pipeline_mode<synchronous>, transform_indices = @transform_7, window_bounds = array<i64: 512, 256>}, {transform_indices = @transform_8, window_bounds = array<i64: 1000, 128>}, {transform_indices = @transform_9, window_bounds = array<i64: 1000, 128>}, {transform_indices = @transform_10, window_bounds = array<i64: 1000, 256>}]} {
    %get3A = arith.constant 0 : index
    %get3A_0 = arith.constant 0 : index
    %get3A_1 = vector.load %arg1[%get3A, %get3A_0] : memref<1000x128xf32, #tpu.memory_space<vmem>>, vector<1000x128xf32>
    %get3A_2 = arith.constant 0 : index
    %get3A_3 = arith.constant 0 : index
    %get3A_4 = vector.load %arg2[%get3A_2, %get3A_3] : memref<128x512xf32, #tpu.memory_space<vmem>>, vector<128x512xf32>
    %dot_general3A = arith.constant dense<0.000000e+00> : vector<1000x512xf32>
    %dot_general3A_5 = tpu.matmul %get3A_1, %get3A_4, %dot_general3A {dimension_numbers = #tpu.dot_dimension_numbers<[1], [0], [0], [1], [0, 0, 1, 1], [], []>, transpose_lhs_hint = false} : vector<1000x128xf32>, vector<128x512xf32>, vector<1000x512xf32> -> vector<1000x512xf32>
    %get3A_6 = arith.constant 0 : index
    %get3A_7 = vector.load %arg3[%get3A_6] : memref<512xf32, #tpu.memory_space<vmem>>, vector<512xf32>
    %broadcast_in_dim3A = vector.shape_cast %get3A_7 : vector<512xf32> to vector<1x512xf32>
    %add3A = vector.broadcast %broadcast_in_dim3A : vector<1x512xf32> to vector<1000x512xf32>
    %add3A_8 = arith.addf %dot_general3A_5, %add3A : vector<1000x512xf32>
    %reduce_sum3A = arith.constant dense<0.000000e+00> : vector<1000xf32>
    %reduce_sum3A_9 = vector.multi_reduction <add>, %add3A_8, %reduce_sum3A [1] : vector<1000x512xf32> to vector<1000xf32>
    %broadcast_in_dim3A_10 = vector.shape_cast %reduce_sum3A_9 : vector<1000xf32> to vector<1000x1xf32>
    %div3A = arith.constant 5.120000e+02 : f32
    %div3A_11 = vector.broadcast %div3A : f32 to vector<1000x1xf32>
    %div3A_12 = arith.divf %broadcast_in_dim3A_10, %div3A_11 : vector<1000x1xf32>
    %sub3A = vector.broadcast %div3A_12 : vector<1000x1xf32> to vector<1000x512xf32>
    %sub3A_13 = arith.subf %add3A_8, %sub3A : vector<1000x512xf32>
    %integer_pow3A = arith.mulf %sub3A_13, %sub3A_13 : vector<1000x512xf32>
    %reduce_sum3A_14 = arith.constant dense<0.000000e+00> : vector<1000xf32>
    %reduce_sum3A_15 = vector.multi_reduction <add>, %integer_pow3A, %reduce_sum3A_14 [1] : vector<1000x512xf32> to vector<1000xf32>
    %broadcast_in_dim3A_16 = vector.shape_cast %reduce_sum3A_15 : vector<1000xf32> to vector<1000x1xf32>
    %div3A_17 = arith.constant 5.120000e+02 : f32
    %div3A_18 = vector.broadcast %div3A_17 : f32 to vector<1000x1xf32>
    %div3A_19 = arith.divf %broadcast_in_dim3A_16, %div3A_18 : vector<1000x1xf32>
    %sub3A_20 = vector.broadcast %div3A_12 : vector<1000x1xf32> to vector<1000x512xf32>
    %sub3A_21 = arith.subf %add3A_8, %sub3A_20 : vector<1000x512xf32>
    %add3A_22 = arith.constant 9.99999974E-6 : f32
    %add3A_23 = vector.broadcast %add3A_22 : f32 to vector<1000x1xf32>
    %add3A_24 = arith.addf %div3A_19, %add3A_23 : vector<1000x1xf32>
    %rsqrt3A = math.rsqrt %add3A_24 : vector<1000x1xf32>
    %mul3A = vector.broadcast %rsqrt3A : vector<1000x1xf32> to vector<1000x512xf32>
    %mul3A_25 = arith.mulf %sub3A_21, %mul3A : vector<1000x512xf32>
    %get3A_26 = arith.constant 0 : index
    %get3A_27 = vector.load %arg4[%get3A_26] : memref<512xf32, #tpu.memory_space<vmem>>, vector<512xf32>
    %broadcast_in_dim3A_28 = vector.shape_cast %get3A_27 : vector<512xf32> to vector<1x512xf32>
    %mul3A_29 = vector.broadcast %broadcast_in_dim3A_28 : vector<1x512xf32> to vector<1000x512xf32>
    %mul3A_30 = arith.mulf %mul3A_25, %mul3A_29 : vector<1000x512xf32>
    %get3A_31 = arith.constant 0 : index
    %get3A_32 = vector.load %arg5[%get3A_31] : memref<512xf32, #tpu.memory_space<vmem>>, vector<512xf32>
    %broadcast_in_dim3A_33 = vector.shape_cast %get3A_32 : vector<512xf32> to vector<1x512xf32>
    %add3A_34 = vector.broadcast %broadcast_in_dim3A_33 : vector<1x512xf32> to vector<1000x512xf32>
    %add3A_35 = arith.addf %mul3A_30, %add3A_34 : vector<1000x512xf32>
    %ge3A = arith.constant 0.000000e+00 : f32
    %ge3A_36 = vector.broadcast %ge3A : f32 to vector<1000x512xf32>
    %ge3A_37 = arith.cmpf oge, %add3A_35, %ge3A_36 : vector<1000x512xf32>
    %mul3A_38 = arith.constant 2.000000e-01 : f32
    %mul3A_39 = vector.broadcast %mul3A_38 : f32 to vector<1000x512xf32>
    %mul3A_40 = arith.mulf %mul3A_39, %add3A_35 : vector<1000x512xf32>
    %select_n3A = arith.select %ge3A_37, %add3A_35, %mul3A_40 : vector<1000x512xi1>, vector<1000x512xf32>
    %get3A_41 = arith.constant 0 : index
    %get3A_42 = arith.constant 0 : index
    %get3A_43 = vector.load %arg6[%get3A_41, %get3A_42] : memref<512x128xf32, #tpu.memory_space<vmem>>, vector<512x128xf32>
    %dot_general3A_44 = arith.constant dense<0.000000e+00> : vector<1000x128xf32>
    %dot_general3A_45 = tpu.matmul %select_n3A, %get3A_43, %dot_general3A_44 {dimension_numbers = #tpu.dot_dimension_numbers<[1], [0], [0], [1], [0, 0, 1, 1], [], []>, transpose_lhs_hint = false} : vector<1000x512xf32>, vector<512x128xf32>, vector<1000x128xf32> -> vector<1000x128xf32>
    %swap3A = arith.constant 0 : index
    %swap3A_46 = arith.constant 0 : index
    %swap3A_47 = vector.load %arg9[%swap3A, %swap3A_46] : memref<1000x128xf32, #tpu.memory_space<vmem>>, vector<1000x128xf32>
    tpu.vector_store %arg9[%swap3A, %swap3A_46], %dot_general3A_45 {strides = array<i32>} : memref<1000x128xf32, #tpu.memory_space<vmem>>, vector<1000x128xf32>,
    %get3A_48 = arith.constant 0 : index
    %get3A_49 = arith.constant 0 : index
    %get3A_50 = vector.load %arg7[%get3A_48, %get3A_49] : memref<512x128xf32, #tpu.memory_space<vmem>>, vector<512x128xf32>
    %dot_general3A_51 = arith.constant dense<0.000000e+00> : vector<1000x128xf32>
    %dot_general3A_52 = tpu.matmul %select_n3A, %get3A_50, %dot_general3A_51 {dimension_numbers = #tpu.dot_dimension_numbers<[1], [0], [0], [1], [0, 0, 1, 1], [], []>, transpose_lhs_hint = false} : vector<1000x512xf32>, vector<512x128xf32>, vector<1000x128xf32> -> vector<1000x128xf32>
    %swap3A_53 = arith.constant 0 : index
    %swap3A_54 = arith.constant 0 : index
    %swap3A_55 = vector.load %arg10[%swap3A_53, %swap3A_54] : memref<1000x128xf32, #tpu.memory_space<vmem>>, vector<1000x128xf32>
    tpu.vector_store %arg10[%swap3A_53, %swap3A_54], %dot_general3A_52 {strides = array<i32>} : memref<1000x128xf32, #tpu.memory_space<vmem>>, vector<1000x128xf32>,
    %get3A_56 = arith.constant 0 : index
    %get3A_57 = arith.constant 0 : index
    %get3A_58 = vector.load %arg8[%get3A_56, %get3A_57] : memref<512x256xf32, #tpu.memory_space<vmem>>, vector<512x256xf32>
    %dot_general3A_59 = arith.constant dense<0.000000e+00> : vector<1000x256xf32>
    %dot_general3A_60 = tpu.matmul %select_n3A, %get3A_58, %dot_general3A_59 {dimension_numbers = #tpu.dot_dimension_numbers<[1], [0], [0], [1], [0, 0, 1, 1], [], []>, transpose_lhs_hint = false} : vector<1000x512xf32>, vector<512x256xf32>, vector<1000x256xf32> -> vector<1000x256xf32>
    %swap3A_61 = arith.constant 0 : index
    %swap3A_62 = arith.constant 0 : index
    %swap3A_63 = vector.load %arg11[%swap3A_61, %swap3A_62] : memref<1000x256xf32, #tpu.memory_space<vmem>>, vector<1000x256xf32>
    tpu.vector_store %arg11[%swap3A_61, %swap3A_62], %dot_general3A_60 {strides = array<i32>} : memref<1000x256xf32, #tpu.memory_space<vmem>>, vector<1000x256xf32>,
    return
  }
  func.func @transform_0(%arg0: i32) -> (i32, i32) {
    %c0_i32 = arith.constant 0 : i32
    %c0_i32_0 = arith.constant 0 : i32
    return %arg0, %c0_i32 : i32, i32
  }
  func.func @transform_1(%arg0: i32) -> (i32, i32) {
    %c0_i32 = arith.constant 0 : i32
    %c0_i32_0 = arith.constant 0 : i32
    %c0_i32_1 = arith.constant 0 : i32
    return %c0_i32, %c0_i32_0 : i32, i32
  }
  func.func @transform_2(%arg0: i32) -> i32 {
    %c0_i32 = arith.constant 0 : i32
    %c0_i32_0 = arith.constant 0 : i32
    return %c0_i32 : i32
  }
  func.func @transform_3(%arg0: i32) -> i32 {
    %c0_i32 = arith.constant 0 : i32
    %c0_i32_0 = arith.constant 0 : i32
    return %c0_i32 : i32
  }
  func.func @transform_4(%arg0: i32) -> i32 {
    %c0_i32 = arith.constant 0 : i32
    %c0_i32_0 = arith.constant 0 : i32
    return %c0_i32 : i32
  }
  func.func @transform_5(%arg0: i32) -> (i32, i32) {
    %c0_i32 = arith.constant 0 : i32
    %c0_i32_0 = arith.constant 0 : i32
    %c0_i32_1 = arith.constant 0 : i32
    return %c0_i32, %c0_i32_0 : i32, i32
  }
  func.func @transform_6(%arg0: i32) -> (i32, i32) {
    %c0_i32 = arith.constant 0 : i32
    %c0_i32_0 = arith.constant 0 : i32
    %c0_i32_1 = arith.constant 0 : i32
    return %c0_i32, %c0_i32_0 : i32, i32
  }
  func.func @transform_7(%arg0: i32) -> (i32, i32) {
    %c0_i32 = arith.constant 0 : i32
    %c0_i32_0 = arith.constant 0 : i32
    %c0_i32_1 = arith.constant 0 : i32
    return %c0_i32, %c0_i32_0 : i32, i32
  }
  func.func @transform_8(%arg0: i32) -> (i32, i32) {
    %c0_i32 = arith.constant 0 : i32
    %c0_i32_0 = arith.constant 0 : i32
    return %arg0, %c0_i32 : i32, i32
  }
  func.func @transform_9(%arg0: i32) -> (i32, i32) {
    %c0_i32 = arith.constant 0 : i32
    %c0_i32_0 = arith.constant 0 : i32
    return %arg0, %c0_i32 : i32, i32
  }
  func.func @transform_10(%arg0: i32) -> (i32, i32) {
    %c0_i32 = arith.constant 0 : i32
    %c0_i32_0 = arith.constant 0 : i32
    return %arg0, %c0_i32 : i32, i32
  }
}

module attributes {stable_mosaic.version = 14 : i64} {
  func.func @body(%arg0: i32, %arg1: memref<1000x128xf32, #tpu.memory_space<vmem>>, %arg2: memref<1000x128xf32, #tpu.memory_space<vmem>>, %arg3: memref<1000x128xf32, #tpu.memory_space<vmem>>, %arg4: memref<1000x128xf32, #tpu.memory_space<vmem>>, %arg5: memref<1000x256xf32, #tpu.memory_space<vmem>>, %arg6: memref<256xf32, #tpu.memory_space<vmem>>, %arg7: memref<256xf32, #tpu.memory_space<vmem>>, %arg8: memref<256xf32, #tpu.memory_space<vmem>>, %arg9: memref<256x128xf32, #tpu.memory_space<vmem>>, %arg10: memref<256x128xf32, #tpu.memory_space<vmem>>, %arg11: memref<1000x128xf32, #tpu.memory_space<vmem>>, %arg12: memref<1000x128xf32, #tpu.memory_space<vmem>>) attributes {dimension_semantics = [#tpu.dimension_semantics<arbitrary>], iteration_bounds = array<i64: 10>, scalar_prefetch = 0 : i64, scratch_operands = 0 : i64, tpu.core_type = #tpu.core_type<tc>, window_params = [{transform_indices = @transform_0, window_bounds = array<i64: 1000, 128>}, {transform_indices = @transform_1, window_bounds = array<i64: 1000, 128>}, {transform_indices = @transform_2, window_bounds = array<i64: 1000, 128>}, {transform_indices = @transform_3, window_bounds = array<i64: 1000, 128>}, {transform_indices = @transform_4, window_bounds = array<i64: 1000, 256>}, {pipeline_mode = #tpu.pipeline_mode<synchronous>, transform_indices = @transform_5, window_bounds = array<i64: 256>}, {pipeline_mode = #tpu.pipeline_mode<synchronous>, transform_indices = @transform_6, window_bounds = array<i64: 256>}, {pipeline_mode = #tpu.pipeline_mode<synchronous>, transform_indices = @transform_7, window_bounds = array<i64: 256>}, {pipeline_mode = #tpu.pipeline_mode<synchronous>, transform_indices = @transform_8, window_bounds = array<i64: 256, 128>}, {pipeline_mode = #tpu.pipeline_mode<synchronous>, transform_indices = @transform_9, window_bounds = array<i64: 256, 128>}, {transform_indices = @transform_10, window_bounds = array<i64: 1000, 128>}, {transform_indices = @transform_11, window_bounds = array<i64: 1000, 128>}]} {
    %get3A = arith.constant 0 : index
    %get3A_0 = arith.constant 0 : index
    %get3A_1 = vector.load %arg3[%get3A, %get3A_0] : memref<1000x128xf32, #tpu.memory_space<vmem>>, vector<1000x128xf32>
    %slice3A = vector.extract_strided_slice %get3A_1 {offsets = [0, 0], sizes = [1000, 1], strides = [1, 1]} : vector<1000x128xf32> to vector<1000x1xf32>
    %get3A_2 = arith.constant 0 : index
    %get3A_3 = arith.constant 0 : index
    %get3A_4 = vector.load %arg4[%get3A_2, %get3A_3] : memref<1000x128xf32, #tpu.memory_space<vmem>>, vector<1000x128xf32>
    %slice3A_5 = vector.extract_strided_slice %get3A_4 {offsets = [0, 0], sizes = [1000, 1], strides = [1, 1]} : vector<1000x128xf32> to vector<1000x1xf32>
    %add3A = arith.addf %slice3A, %slice3A_5 : vector<1000x1xf32>
    %max3A = arith.constant 1.000000e+00 : f32
    %max3A_6 = vector.broadcast %max3A : f32 to vector<1000x1xf32>
    %max3A_7 = arith.maximumf %add3A, %max3A_6 : vector<1000x1xf32>
    %get3A_8 = arith.constant 0 : index
    %get3A_9 = arith.constant 0 : index
    %get3A_10 = vector.load %arg1[%get3A_8, %get3A_9] : memref<1000x128xf32, #tpu.memory_space<vmem>>, vector<1000x128xf32>
    %get3A_11 = arith.constant 0 : index
    %get3A_12 = arith.constant 0 : index
    %get3A_13 = vector.load %arg2[%get3A_11, %get3A_12] : memref<1000x128xf32, #tpu.memory_space<vmem>>, vector<1000x128xf32>
    %concatenate3A = tpu.concatenate %get3A_10, %get3A_13 in 1 : vector<1000x128xf32>, vector<1000x128xf32> -> vector<1000x256xf32>
    %div3A = vector.broadcast %max3A_7 : vector<1000x1xf32> to vector<1000x256xf32>
    %div3A_14 = arith.divf %concatenate3A, %div3A : vector<1000x256xf32>
    %get3A_15 = arith.constant 0 : index
    %get3A_16 = vector.load %arg6[%get3A_15] : memref<256xf32, #tpu.memory_space<vmem>>, vector<256xf32>
    %broadcast_in_dim3A = vector.shape_cast %get3A_16 : vector<256xf32> to vector<1x256xf32>
    %add3A_17 = vector.broadcast %broadcast_in_dim3A : vector<1x256xf32> to vector<1000x256xf32>
    %add3A_18 = arith.addf %div3A_14, %add3A_17 : vector<1000x256xf32>
    %get3A_19 = arith.constant 0 : index
    %get3A_20 = arith.constant 0 : index
    %get3A_21 = vector.load %arg5[%get3A_19, %get3A_20] : memref<1000x256xf32, #tpu.memory_space<vmem>>, vector<1000x256xf32>
    %add3A_22 = arith.addf %add3A_18, %get3A_21 : vector<1000x256xf32>
    %mul3A = arith.constant 0.999994993 : f32
    %mul3A_23 = vector.broadcast %mul3A : f32 to vector<1000x256xf32>
    %mul3A_24 = arith.mulf %add3A_22, %mul3A_23 : vector<1000x256xf32>
    %get3A_25 = arith.constant 0 : index
    %get3A_26 = vector.load %arg7[%get3A_25] : memref<256xf32, #tpu.memory_space<vmem>>, vector<256xf32>
    %broadcast_in_dim3A_27 = vector.shape_cast %get3A_26 : vector<256xf32> to vector<1x256xf32>
    %mul3A_28 = vector.broadcast %broadcast_in_dim3A_27 : vector<1x256xf32> to vector<1000x256xf32>
    %mul3A_29 = arith.mulf %mul3A_24, %mul3A_28 : vector<1000x256xf32>
    %get3A_30 = arith.constant 0 : index
    %get3A_31 = vector.load %arg8[%get3A_30] : memref<256xf32, #tpu.memory_space<vmem>>, vector<256xf32>
    %broadcast_in_dim3A_32 = vector.shape_cast %get3A_31 : vector<256xf32> to vector<1x256xf32>
    %add3A_33 = vector.broadcast %broadcast_in_dim3A_32 : vector<1x256xf32> to vector<1000x256xf32>
    %add3A_34 = arith.addf %mul3A_29, %add3A_33 : vector<1000x256xf32>
    %ge3A = arith.constant 0.000000e+00 : f32
    %ge3A_35 = vector.broadcast %ge3A : f32 to vector<1000x256xf32>
    %ge3A_36 = arith.cmpf oge, %add3A_34, %ge3A_35 : vector<1000x256xf32>
    %mul3A_37 = arith.constant 2.000000e-01 : f32
    %mul3A_38 = vector.broadcast %mul3A_37 : f32 to vector<1000x256xf32>
    %mul3A_39 = arith.mulf %mul3A_38, %add3A_34 : vector<1000x256xf32>
    %select_n3A = arith.select %ge3A_36, %add3A_34, %mul3A_39 : vector<1000x256xi1>, vector<1000x256xf32>
    %get3A_40 = arith.constant 0 : index
    %get3A_41 = arith.constant 0 : index
    %get3A_42 = vector.load %arg9[%get3A_40, %get3A_41] : memref<256x128xf32, #tpu.memory_space<vmem>>, vector<256x128xf32>
    %dot_general3A = arith.constant dense<0.000000e+00> : vector<1000x128xf32>
    %dot_general3A_43 = tpu.matmul %select_n3A, %get3A_42, %dot_general3A {dimension_numbers = #tpu.dot_dimension_numbers<[1], [0], [0], [1], [0, 0, 1, 1], [], []>, transpose_lhs_hint = false} : vector<1000x256xf32>, vector<256x128xf32>, vector<1000x128xf32> -> vector<1000x128xf32>
    %swap3A = arith.constant 0 : index
    %swap3A_44 = arith.constant 0 : index
    %swap3A_45 = vector.load %arg11[%swap3A, %swap3A_44] : memref<1000x128xf32, #tpu.memory_space<vmem>>, vector<1000x128xf32>
    tpu.vector_store %arg11[%swap3A, %swap3A_44], %dot_general3A_43 {strides = array<i32>} : memref<1000x128xf32, #tpu.memory_space<vmem>>, vector<1000x128xf32>,
    %get3A_46 = arith.constant 0 : index
    %get3A_47 = arith.constant 0 : index
    %get3A_48 = vector.load %arg10[%get3A_46, %get3A_47] : memref<256x128xf32, #tpu.memory_space<vmem>>, vector<256x128xf32>
    %dot_general3A_49 = arith.constant dense<0.000000e+00> : vector<1000x128xf32>
    %dot_general3A_50 = tpu.matmul %select_n3A, %get3A_48, %dot_general3A_49 {dimension_numbers = #tpu.dot_dimension_numbers<[1], [0], [0], [1], [0, 0, 1, 1], [], []>, transpose_lhs_hint = false} : vector<1000x256xf32>, vector<256x128xf32>, vector<1000x128xf32> -> vector<1000x128xf32>
    %swap3A_51 = arith.constant 0 : index
    %swap3A_52 = arith.constant 0 : index
    %swap3A_53 = vector.load %arg12[%swap3A_51, %swap3A_52] : memref<1000x128xf32, #tpu.memory_space<vmem>>, vector<1000x128xf32>
    tpu.vector_store %arg12[%swap3A_51, %swap3A_52], %dot_general3A_50 {strides = array<i32>} : memref<1000x128xf32, #tpu.memory_space<vmem>>, vector<1000x128xf32>,
    return
  }
  func.func @transform_0(%arg0: i32) -> (i32, i32) {
    %c0_i32 = arith.constant 0 : i32
    %c0_i32_0 = arith.constant 0 : i32
    return %arg0, %c0_i32 : i32, i32
  }
  func.func @transform_1(%arg0: i32) -> (i32, i32) {
    %c0_i32 = arith.constant 0 : i32
    %c0_i32_0 = arith.constant 0 : i32
    return %arg0, %c0_i32 : i32, i32
  }
  func.func @transform_2(%arg0: i32) -> (i32, i32) {
    %c0_i32 = arith.constant 0 : i32
    %c0_i32_0 = arith.constant 0 : i32
    return %arg0, %c0_i32 : i32, i32
  }
  func.func @transform_3(%arg0: i32) -> (i32, i32) {
    %c0_i32 = arith.constant 0 : i32
    %c0_i32_0 = arith.constant 0 : i32
    return %arg0, %c0_i32 : i32, i32
  }
  func.func @transform_4(%arg0: i32) -> (i32, i32) {
    %c0_i32 = arith.constant 0 : i32
    %c0_i32_0 = arith.constant 0 : i32
    return %arg0, %c0_i32 : i32, i32
  }
  func.func @transform_5(%arg0: i32) -> i32 {
    %c0_i32 = arith.constant 0 : i32
    %c0_i32_0 = arith.constant 0 : i32
    return %c0_i32 : i32
  }
  func.func @transform_6(%arg0: i32) -> i32 {
    %c0_i32 = arith.constant 0 : i32
    %c0_i32_0 = arith.constant 0 : i32
    return %c0_i32 : i32
  }
  func.func @transform_7(%arg0: i32) -> i32 {
    %c0_i32 = arith.constant 0 : i32
    %c0_i32_0 = arith.constant 0 : i32
    return %c0_i32 : i32
  }
  func.func @transform_8(%arg0: i32) -> (i32, i32) {
    %c0_i32 = arith.constant 0 : i32
    %c0_i32_0 = arith.constant 0 : i32
    %c0_i32_1 = arith.constant 0 : i32
    return %c0_i32, %c0_i32_0 : i32, i32
  }
  func.func @transform_9(%arg0: i32) -> (i32, i32) {
    %c0_i32 = arith.constant 0 : i32
    %c0_i32_0 = arith.constant 0 : i32
    %c0_i32_1 = arith.constant 0 : i32
    return %c0_i32, %c0_i32_0 : i32, i32
  }
  func.func @transform_10(%arg0: i32) -> (i32, i32) {
    %c0_i32 = arith.constant 0 : i32
    %c0_i32_0 = arith.constant 0 : i32
    return %arg0, %c0_i32 : i32, i32
  }
  func.func @transform_11(%arg0: i32) -> (i32, i32) {
    %c0_i32 = arith.constant 0 : i32
    %c0_i32_0 = arith.constant 0 : i32
    return %arg0, %c0_i32 : i32, i32
  }
}

module attributes {stable_mosaic.version = 14 : i64} {
  func.func @body(%arg0: i32, %arg1: memref<1000x128xf32, #tpu.memory_space<vmem>>, %arg2: memref<1000x128xf32, #tpu.memory_space<vmem>>, %arg3: memref<1000x128xf32, #tpu.memory_space<vmem>>, %arg4: memref<1000x128xf32, #tpu.memory_space<vmem>>, %arg5: memref<1000x128xf32, #tpu.memory_space<vmem>>, %arg6: memref<128xf32, #tpu.memory_space<vmem>>, %arg7: memref<128xf32, #tpu.memory_space<vmem>>, %arg8: memref<128xf32, #tpu.memory_space<vmem>>, %arg9: memref<128x256xf32, #tpu.memory_space<vmem>>, %arg10: memref<256xf32, #tpu.memory_space<vmem>>, %arg11: memref<256xf32, #tpu.memory_space<vmem>>, %arg12: memref<256xf32, #tpu.memory_space<vmem>>, %arg13: memref<256x16xf32, #tpu.memory_space<vmem>>, %arg14: memref<16xf32, #tpu.memory_space<vmem>>, %arg15: memref<1000x128xf32, #tpu.memory_space<vmem>>, %arg16: memref<1000x16xf32, #tpu.memory_space<vmem>>) attributes {dimension_semantics = [#tpu.dimension_semantics<arbitrary>], iteration_bounds = array<i64: 10>, scalar_prefetch = 0 : i64, scratch_operands = 0 : i64, tpu.core_type = #tpu.core_type<tc>, window_params = [{transform_indices = @transform_0, window_bounds = array<i64: 1000, 128>}, {transform_indices = @transform_1, window_bounds = array<i64: 1000, 128>}, {transform_indices = @transform_2, window_bounds = array<i64: 1000, 128>}, {transform_indices = @transform_3, window_bounds = array<i64: 1000, 128>}, {transform_indices = @transform_4, window_bounds = array<i64: 1000, 128>}, {pipeline_mode = #tpu.pipeline_mode<synchronous>, transform_indices = @transform_5, window_bounds = array<i64: 128>}, {pipeline_mode = #tpu.pipeline_mode<synchronous>, transform_indices = @transform_6, window_bounds = array<i64: 128>}, {pipeline_mode = #tpu.pipeline_mode<synchronous>, transform_indices = @transform_7, window_bounds = array<i64: 128>}, {pipeline_mode = #tpu.pipeline_mode<synchronous>, transform_indices = @transform_8, window_bounds = array<i64: 128, 256>}, {pipeline_mode = #tpu.pipeline_mode<synchronous>, transform_indices = @transform_9, window_bounds = array<i64: 256>}, {pipeline_mode = #tpu.pipeline_mode<synchronous>, transform_indices = @transform_10, window_bounds = array<i64: 256>}, {pipeline_mode = #tpu.pipeline_mode<synchronous>, transform_indices = @transform_11, window_bounds = array<i64: 256>}, {pipeline_mode = #tpu.pipeline_mode<synchronous>, transform_indices = @transform_12, window_bounds = array<i64: 256, 16>}, {pipeline_mode = #tpu.pipeline_mode<synchronous>, transform_indices = @transform_13, window_bounds = array<i64: 16>}, {transform_indices = @transform_14, window_bounds = array<i64: 1000, 128>}, {transform_indices = @transform_15, window_bounds = array<i64: 1000, 16>}]} {
    %get3A = arith.constant 0 : index
    %get3A_0 = arith.constant 0 : index
    %get3A_1 = vector.load %arg3[%get3A, %get3A_0] : memref<1000x128xf32, #tpu.memory_space<vmem>>, vector<1000x128xf32>
    %slice3A = vector.extract_strided_slice %get3A_1 {offsets = [0, 0], sizes = [1000, 1], strides = [1, 1]} : vector<1000x128xf32> to vector<1000x1xf32>
    %get3A_2 = arith.constant 0 : index
    %get3A_3 = arith.constant 0 : index
    %get3A_4 = vector.load %arg4[%get3A_2, %get3A_3] : memref<1000x128xf32, #tpu.memory_space<vmem>>, vector<1000x128xf32>
    %slice3A_5 = vector.extract_strided_slice %get3A_4 {offsets = [0, 0], sizes = [1000, 1], strides = [1, 1]} : vector<1000x128xf32> to vector<1000x1xf32>
    %add3A = arith.addf %slice3A, %slice3A_5 : vector<1000x1xf32>
    %max3A = arith.constant 1.000000e+00 : f32
    %max3A_6 = vector.broadcast %max3A : f32 to vector<1000x1xf32>
    %max3A_7 = arith.maximumf %add3A, %max3A_6 : vector<1000x1xf32>
    %get3A_8 = arith.constant 0 : index
    %get3A_9 = arith.constant 0 : index
    %get3A_10 = vector.load %arg1[%get3A_8, %get3A_9] : memref<1000x128xf32, #tpu.memory_space<vmem>>, vector<1000x128xf32>
    %get3A_11 = arith.constant 0 : index
    %get3A_12 = arith.constant 0 : index
    %get3A_13 = vector.load %arg2[%get3A_11, %get3A_12] : memref<1000x128xf32, #tpu.memory_space<vmem>>, vector<1000x128xf32>
    %add3A_14 = arith.addf %get3A_10, %get3A_13 : vector<1000x128xf32>
    %div3A = vector.broadcast %max3A_7 : vector<1000x1xf32> to vector<1000x128xf32>
    %div3A_15 = arith.divf %add3A_14, %div3A : vector<1000x128xf32>
    %get3A_16 = arith.constant 0 : index
    %get3A_17 = vector.load %arg6[%get3A_16] : memref<128xf32, #tpu.memory_space<vmem>>, vector<128xf32>
    %broadcast_in_dim3A = vector.shape_cast %get3A_17 : vector<128xf32> to vector<1x128xf32>
    %add3A_18 = vector.broadcast %broadcast_in_dim3A : vector<1x128xf32> to vector<1000x128xf32>
    %add3A_19 = arith.addf %div3A_15, %add3A_18 : vector<1000x128xf32>
    %get3A_20 = arith.constant 0 : index
    %get3A_21 = arith.constant 0 : index
    %get3A_22 = vector.load %arg5[%get3A_20, %get3A_21] : memref<1000x128xf32, #tpu.memory_space<vmem>>, vector<1000x128xf32>
    %add3A_23 = arith.addf %add3A_19, %get3A_22 : vector<1000x128xf32>
    %mul3A = arith.constant 0.999994993 : f32
    %mul3A_24 = vector.broadcast %mul3A : f32 to vector<1000x128xf32>
    %mul3A_25 = arith.mulf %add3A_23, %mul3A_24 : vector<1000x128xf32>
    %get3A_26 = arith.constant 0 : index
    %get3A_27 = vector.load %arg7[%get3A_26] : memref<128xf32, #tpu.memory_space<vmem>>, vector<128xf32>
    %broadcast_in_dim3A_28 = vector.shape_cast %get3A_27 : vector<128xf32> to vector<1x128xf32>
    %mul3A_29 = vector.broadcast %broadcast_in_dim3A_28 : vector<1x128xf32> to vector<1000x128xf32>
    %mul3A_30 = arith.mulf %mul3A_25, %mul3A_29 : vector<1000x128xf32>
    %get3A_31 = arith.constant 0 : index
    %get3A_32 = vector.load %arg8[%get3A_31] : memref<128xf32, #tpu.memory_space<vmem>>, vector<128xf32>
    %broadcast_in_dim3A_33 = vector.shape_cast %get3A_32 : vector<128xf32> to vector<1x128xf32>
    %add3A_34 = vector.broadcast %broadcast_in_dim3A_33 : vector<1x128xf32> to vector<1000x128xf32>
    %add3A_35 = arith.addf %mul3A_30, %add3A_34 : vector<1000x128xf32>
    %ge3A = arith.constant 0.000000e+00 : f32
    %ge3A_36 = vector.broadcast %ge3A : f32 to vector<1000x128xf32>
    %ge3A_37 = arith.cmpf oge, %add3A_35, %ge3A_36 : vector<1000x128xf32>
    %mul3A_38 = arith.constant 2.000000e-01 : f32
    %mul3A_39 = vector.broadcast %mul3A_38 : f32 to vector<1000x128xf32>
    %mul3A_40 = arith.mulf %mul3A_39, %add3A_35 : vector<1000x128xf32>
    %select_n3A = arith.select %ge3A_37, %add3A_35, %mul3A_40 : vector<1000x128xi1>, vector<1000x128xf32>
    %swap3A = arith.constant 0 : index
    %swap3A_41 = arith.constant 0 : index
    %swap3A_42 = vector.load %arg15[%swap3A, %swap3A_41] : memref<1000x128xf32, #tpu.memory_space<vmem>>, vector<1000x128xf32>
    tpu.vector_store %arg15[%swap3A, %swap3A_41], %select_n3A {strides = array<i32>} : memref<1000x128xf32, #tpu.memory_space<vmem>>, vector<1000x128xf32>,
    %get3A_43 = arith.constant 0 : index
    %get3A_44 = arith.constant 0 : index
    %get3A_45 = vector.load %arg9[%get3A_43, %get3A_44] : memref<128x256xf32, #tpu.memory_space<vmem>>, vector<128x256xf32>
    %dot_general3A = arith.constant dense<0.000000e+00> : vector<1000x256xf32>
    %dot_general3A_46 = tpu.matmul %select_n3A, %get3A_45, %dot_general3A {dimension_numbers = #tpu.dot_dimension_numbers<[1], [0], [0], [1], [0, 0, 1, 1], [], []>, transpose_lhs_hint = false} : vector<1000x128xf32>, vector<128x256xf32>, vector<1000x256xf32> -> vector<1000x256xf32>
    %get3A_47 = arith.constant 0 : index
    %get3A_48 = vector.load %arg10[%get3A_47] : memref<256xf32, #tpu.memory_space<vmem>>, vector<256xf32>
    %broadcast_in_dim3A_49 = vector.shape_cast %get3A_48 : vector<256xf32> to vector<1x256xf32>
    %add3A_50 = vector.broadcast %broadcast_in_dim3A_49 : vector<1x256xf32> to vector<1000x256xf32>
    %add3A_51 = arith.addf %dot_general3A_46, %add3A_50 : vector<1000x256xf32>
    %reduce_sum3A = arith.constant dense<0.000000e+00> : vector<1000xf32>
    %reduce_sum3A_52 = vector.multi_reduction <add>, %add3A_51, %reduce_sum3A [1] : vector<1000x256xf32> to vector<1000xf32>
    %broadcast_in_dim3A_53 = vector.shape_cast %reduce_sum3A_52 : vector<1000xf32> to vector<1000x1xf32>
    %div3A_54 = arith.constant 2.560000e+02 : f32
    %div3A_55 = vector.broadcast %div3A_54 : f32 to vector<1000x1xf32>
    %div3A_56 = arith.divf %broadcast_in_dim3A_53, %div3A_55 : vector<1000x1xf32>
    %sub3A = vector.broadcast %div3A_56 : vector<1000x1xf32> to vector<1000x256xf32>
    %sub3A_57 = arith.subf %add3A_51, %sub3A : vector<1000x256xf32>
    %integer_pow3A = arith.mulf %sub3A_57, %sub3A_57 : vector<1000x256xf32>
    %reduce_sum3A_58 = arith.constant dense<0.000000e+00> : vector<1000xf32>
    %reduce_sum3A_59 = vector.multi_reduction <add>, %integer_pow3A, %reduce_sum3A_58 [1] : vector<1000x256xf32> to vector<1000xf32>
    %broadcast_in_dim3A_60 = vector.shape_cast %reduce_sum3A_59 : vector<1000xf32> to vector<1000x1xf32>
    %div3A_61 = arith.constant 2.560000e+02 : f32
    %div3A_62 = vector.broadcast %div3A_61 : f32 to vector<1000x1xf32>
    %div3A_63 = arith.divf %broadcast_in_dim3A_60, %div3A_62 : vector<1000x1xf32>
    %sub3A_64 = vector.broadcast %div3A_56 : vector<1000x1xf32> to vector<1000x256xf32>
    %sub3A_65 = arith.subf %add3A_51, %sub3A_64 : vector<1000x256xf32>
    %add3A_66 = arith.constant 9.99999974E-6 : f32
    %add3A_67 = vector.broadcast %add3A_66 : f32 to vector<1000x1xf32>
    %add3A_68 = arith.addf %div3A_63, %add3A_67 : vector<1000x1xf32>
    %rsqrt3A = math.rsqrt %add3A_68 : vector<1000x1xf32>
    %mul3A_69 = vector.broadcast %rsqrt3A : vector<1000x1xf32> to vector<1000x256xf32>
    %mul3A_70 = arith.mulf %sub3A_65, %mul3A_69 : vector<1000x256xf32>
    %get3A_71 = arith.constant 0 : index
    %get3A_72 = vector.load %arg11[%get3A_71] : memref<256xf32, #tpu.memory_space<vmem>>, vector<256xf32>
    %broadcast_in_dim3A_73 = vector.shape_cast %get3A_72 : vector<256xf32> to vector<1x256xf32>
    %mul3A_74 = vector.broadcast %broadcast_in_dim3A_73 : vector<1x256xf32> to vector<1000x256xf32>
    %mul3A_75 = arith.mulf %mul3A_70, %mul3A_74 : vector<1000x256xf32>
    %get3A_76 = arith.constant 0 : index
    %get3A_77 = vector.load %arg12[%get3A_76] : memref<256xf32, #tpu.memory_space<vmem>>, vector<256xf32>
    %broadcast_in_dim3A_78 = vector.shape_cast %get3A_77 : vector<256xf32> to vector<1x256xf32>
    %add3A_79 = vector.broadcast %broadcast_in_dim3A_78 : vector<1x256xf32> to vector<1000x256xf32>
    %add3A_80 = arith.addf %mul3A_75, %add3A_79 : vector<1000x256xf32>
    %ge3A_81 = arith.constant 0.000000e+00 : f32
    %ge3A_82 = vector.broadcast %ge3A_81 : f32 to vector<1000x256xf32>
    %ge3A_83 = arith.cmpf oge, %add3A_80, %ge3A_82 : vector<1000x256xf32>
    %mul3A_84 = arith.constant 2.000000e-01 : f32
    %mul3A_85 = vector.broadcast %mul3A_84 : f32 to vector<1000x256xf32>
    %mul3A_86 = arith.mulf %mul3A_85, %add3A_80 : vector<1000x256xf32>
    %select_n3A_87 = arith.select %ge3A_83, %add3A_80, %mul3A_86 : vector<1000x256xi1>, vector<1000x256xf32>
    %get3A_88 = arith.constant 0 : index
    %get3A_89 = arith.constant 0 : index
    %get3A_90 = vector.load %arg13[%get3A_88, %get3A_89] : memref<256x16xf32, #tpu.memory_space<vmem>>, vector<256x16xf32>
    %dot_general3A_91 = arith.constant dense<0.000000e+00> : vector<1000x16xf32>
    %dot_general3A_92 = tpu.matmul %select_n3A_87, %get3A_90, %dot_general3A_91 {dimension_numbers = #tpu.dot_dimension_numbers<[1], [0], [0], [1], [0, 0, 1, 1], [], []>, transpose_lhs_hint = false} : vector<1000x256xf32>, vector<256x16xf32>, vector<1000x16xf32> -> vector<1000x16xf32>
    %get3A_93 = arith.constant 0 : index
    %get3A_94 = vector.load %arg14[%get3A_93] : memref<16xf32, #tpu.memory_space<vmem>>, vector<16xf32>
    %broadcast_in_dim3A_95 = vector.shape_cast %get3A_94 : vector<16xf32> to vector<1x16xf32>
    %add3A_96 = vector.broadcast %broadcast_in_dim3A_95 : vector<1x16xf32> to vector<1000x16xf32>
    %add3A_97 = arith.addf %dot_general3A_92, %add3A_96 : vector<1000x16xf32>
    %swap3A_98 = arith.constant 0 : index
    %swap3A_99 = arith.constant 0 : index
    %swap3A_100 = vector.load %arg16[%swap3A_98, %swap3A_99] : memref<1000x16xf32, #tpu.memory_space<vmem>>, vector<1000x16xf32>
    tpu.vector_store %arg16[%swap3A_98, %swap3A_99], %add3A_97 {strides = array<i32>} : memref<1000x16xf32, #tpu.memory_space<vmem>>, vector<1000x16xf32>,
    return
  }
  func.func @transform_0(%arg0: i32) -> (i32, i32) {
    %c0_i32 = arith.constant 0 : i32
    %c0_i32_0 = arith.constant 0 : i32
    return %arg0, %c0_i32 : i32, i32
  }
  func.func @transform_1(%arg0: i32) -> (i32, i32) {
    %c0_i32 = arith.constant 0 : i32
    %c0_i32_0 = arith.constant 0 : i32
    return %arg0, %c0_i32 : i32, i32
  }
  func.func @transform_2(%arg0: i32) -> (i32, i32) {
    %c0_i32 = arith.constant 0 : i32
    %c0_i32_0 = arith.constant 0 : i32
    return %arg0, %c0_i32 : i32, i32
  }
  func.func @transform_3(%arg0: i32) -> (i32, i32) {
    %c0_i32 = arith.constant 0 : i32
    %c0_i32_0 = arith.constant 0 : i32
    return %arg0, %c0_i32 : i32, i32
  }
  func.func @transform_4(%arg0: i32) -> (i32, i32) {
    %c0_i32 = arith.constant 0 : i32
    %c0_i32_0 = arith.constant 0 : i32
    return %arg0, %c0_i32 : i32, i32
  }
  func.func @transform_5(%arg0: i32) -> i32 {
    %c0_i32 = arith.constant 0 : i32
    %c0_i32_0 = arith.constant 0 : i32
    return %c0_i32 : i32
  }
  func.func @transform_6(%arg0: i32) -> i32 {
    %c0_i32 = arith.constant 0 : i32
    %c0_i32_0 = arith.constant 0 : i32
    return %c0_i32 : i32
  }
  func.func @transform_7(%arg0: i32) -> i32 {
    %c0_i32 = arith.constant 0 : i32
    %c0_i32_0 = arith.constant 0 : i32
    return %c0_i32 : i32
  }
  func.func @transform_8(%arg0: i32) -> (i32, i32) {
    %c0_i32 = arith.constant 0 : i32
    %c0_i32_0 = arith.constant 0 : i32
    %c0_i32_1 = arith.constant 0 : i32
    return %c0_i32, %c0_i32_0 : i32, i32
  }
  func.func @transform_9(%arg0: i32) -> i32 {
    %c0_i32 = arith.constant 0 : i32
    %c0_i32_0 = arith.constant 0 : i32
    return %c0_i32 : i32
  }
  func.func @transform_10(%arg0: i32) -> i32 {
    %c0_i32 = arith.constant 0 : i32
    %c0_i32_0 = arith.constant 0 : i32
    return %c0_i32 : i32
  }
  func.func @transform_11(%arg0: i32) -> i32 {
    %c0_i32 = arith.constant 0 : i32
    %c0_i32_0 = arith.constant 0 : i32
    return %c0_i32 : i32
  }
  func.func @transform_12(%arg0: i32) -> (i32, i32) {
    %c0_i32 = arith.constant 0 : i32
    %c0_i32_0 = arith.constant 0 : i32
    %c0_i32_1 = arith.constant 0 : i32
    return %c0_i32, %c0_i32_0 : i32, i32
  }
  func.func @transform_13(%arg0: i32) -> i32 {
    %c0_i32 = arith.constant 0 : i32
    %c0_i32_0 = arith.constant 0 : i32
    return %c0_i32 : i32
  }
  func.func @transform_14(%arg0: i32) -> (i32, i32) {
    %c0_i32 = arith.constant 0 : i32
    %c0_i32_0 = arith.constant 0 : i32
    return %arg0, %c0_i32 : i32, i32
  }
  func.func @transform_15(%arg0: i32) -> (i32, i32) {
    %c0_i32 = arith.constant 0 : i32
    %c0_i32_0 = arith.constant 0 : i32
    return %arg0, %c0_i32 : i32, i32
  }
}

</mosaic_0001>

<sc_bundles>
// kernel: kernel.11.cloned.1.call-start
scs
__scs_entry_jumppad:
0x0: {  	(pc) =	sbr.rel $0x88, $3  }
0x1: {  	(tag) =	ssettag $0x0;
	lr =	simm.s32 $0x1  }
0x2: {  	[smem:$0x3F8B] =	sst lr;
	_ =	strace $0xD0000000  }
0x3: {  	_ = 	snop  }
0x4: {  	_ = 	snop  }
0x5: {  	_ = 	snop  }
0x6: {  	_ = 	snop  }
0x7: {  	_ = 	snop  }
__scs_overlays_trampoline_lowered:
0x8: {  	[smem:$0x3F9A] =	sst s0  }
0x9: {  	[smem:$0x3F9B] =	sst s1  }
0xa: {  	[smem:$0x3F9C] =	sst s2  }
0xb: {  	[smem:$0x3F9D] =	sst s3  }
0xc: {  	[smem:$0x3F9E] =	sst s4  }
0xd: {  	[smem:$0x3F9F] =	sst s5  }
0xe: {  	[smem:$0x3FA0] =	sst s6  }
0xf: {  	[smem:$0x3FA1] =	sst s7  }
0x10: {  	[smem:$0x3FA2] =	sst s8  }
0x11: {  	[smem:$0x3FA3] =	sst s9;
	s0 =	simm.s32 @!p0 $0x0  }
0x12: {  	s1 =	sld [smem:$0x3F89];
	s0 =	simm.s32 @p0 $0x1  }
0x13: {  	[smem:$0x3FA4] =	sst s0;
	s0 =	simm.s32 @!p1 $0x0  }
0x14: {  	s2 =	sld [smem:$0x3F88];
	s0 =	simm.s32 @p1 $0x1  }
0x15: {  	[smem:$0x3FA5] =	sst s0;
	s0 =	simm.s32 @!p2 $0x0  }
0x16: {  	s3 =	sld [smem:$0x3FDB];
	s0 =	simm.s32 @p2 $0x1  }
0x17: {  	s4 =	simm.s32 $0x1BF5;
	[smem:$0x3FA7] =	sst s0  }
0x18: {  	s0 =	sld [smem:$0x3F8A];
	_ =	swait.ge [sflag:s4], $0x0  }
0x19: {  	s7 =	sld [smem:$0x3F8B]  }
0x1a: {  	s8 =	sadd.s32 $0xFFFFE003, lr  }
0x1b: {  	s9 =	sadd.s32 $0xFFFFFEF7, lr;
	s5 =	simm.s32 $0xFFFFFFFF;
	p2 =	slt.u32 s8, $0xFFFFF086  }
0x1c: {  	p1 =	slt.u32 s9, $0xF7A;
	s5 =	simm.s32 @!p2 $0x0  }
0x1d: {  	s5 =	simm.s32 @p1 $0x1;
	p0 =	seq.s32 s7, s2  }
0x1e: {  	s7 =	smul.u32 @!p0 $0xF7A, s2;
	p2 =	seq.s32 @!p0 s5, $0x0  }
0x1f: {  	s9 =	smul.u32 $0xF7A, s1;
	s8 =	simm.s32 @!p0 $0x1BF5;
	p2 =	por !p2, p0  }
0x20: {  	[sflag:s8] =	ssyncset.s32 @!p0 $0xFFFFF086;
	s6 =	sadd.s32 @!p0 s3, s7;
	s7 =	simm.s32 @!p0 $0x108  }
0x21: {  	s3 =	sadd.s32 s3, s9;
	s6 =	sadd.s32 @!p0 $0x88, s6;
	s7 =	simm.s32 @p2 $0x1082  }
0x22: {  	[simem:s7], [sflag:s8] =	dma.local @!p0 [hbm:s6], $0xF7A  }
0x23: {  	s9 =	sor.u32 $0xD0000000, s2;
	s6 =	simm.s32 $0x108;
	_ =	swait.ge @!p0 [sflag:s8], $0x0  }
0x24: {  	s3 =	sadd.s32 $0x88, s3;
	s6 =	simm.s32 @!p1 $0x1082;
	[sflag:s4] =	ssyncset.s32 $0xFFFFF086  }
0x25: {  	[simem:s6], [sflag:s4] =	dma.local [hbm:s3], $0xF7A  }
0x26: {  	[smem:$0x3F8B] =	sst s1;
	(tag) =	ssettag s2;
	_ =	strace s9  }
0x27: {  	s1 =	sld [smem:$0x3F9B]  }
0x28: {  	s2 =	sld [smem:$0x3F9C]  }
0x29: {  	s4 =	sld [smem:$0x3F9E]  }
0x2a: {  	p0 =	seq.s32 s5, $0x0;
	s5 =	sld [smem:$0x3F9F]  }
0x2b: {  	s6 =	sld [smem:$0x3FA0]  }
0x2c: {  	s7 =	sld [smem:$0x3FA1]  }
0x2d: {  	s3 =	simm.s32 $0x108;
	s8 =	sld [smem:$0x3FA2]  }
0x2e: {  	s3 =	simm.s32 @!p0 $0x1082;
	s9 =	sld [smem:$0x3FA3]  }
0x2f: {  	lr =	sadd.s32 s0, s3;
	s0 =	sld [smem:$0x3F9A]  }
0x30: {  	s3 =	sld [smem:$0x3F9D]  }
0x31: {  	[smem:$0x3FA6] =	sst s10  }
0x32: {  	s10 =	sld [smem:$0x3FA4];
	_ =	sdelay $0x3  }
0x33: {  	p0 =	seq.s32 s10, $0x1;
	s10 =	sld [smem:$0x3FA6];
	_ =	sdelay $0x3  }
0x34: {  	[smem:$0x3FA6] =	sst s10  }
0x35: {  	s10 =	sld [smem:$0x3FA5];
	_ =	sdelay $0x3  }
0x36: {  	p1 =	seq.s32 s10, $0x1;
	s10 =	sld [smem:$0x3FA6];
	_ =	sdelay $0x3  }
0x37: {  	[smem:$0x3FA6] =	sst s10  }
0x38: {  	s10 =	sld [smem:$0x3FA7]  }
0x39: {  	_ = 	snop;
	(pc) =	sbr.ind lr, $3  }
0x3a: {  	_ = 	snop  }
0x3b: {  	_ = 	snop  }
0x3c: {  	p2 =	seq.s32 s10, $0x1;
	s10 =	sld [smem:$0x3FA6]  }
0x3d: {  	_ =	shalt  }
0x3e: {  	_ =	shalt  }
0x3f: {  	_ =	shalt  }
0x40: {  	_ =	shalt  }
0x41: {  	_ =	shalt  }
0x42: {  	_ =	shalt  }
0x43: {  	_ =	shalt  }
0x44: {  	_ =	shalt  }
0x45: {  	_ =	shalt  }
0x46: {  	_ =	shalt  }
0x47: {  	_ =	shalt  }
0x48: {  	_ =	shalt  }
0x49: {  	_ =	shalt  }
0x4a: {  	_ =	shalt  }
0x4b: {  	_ =	shalt  }
0x4c: {  	_ =	shalt  }
0x4d: {  	_ =	shalt  }
0x4e: {  	_ =	shalt  }
0x4f: {  	_ =	shalt  }
0x50: {  	_ =	shalt  }
0x51: {  	_ =	shalt  }
0x52: {  	_ =	shalt  }
0x53: {  	_ =	shalt  }
0x54: {  	_ =	shalt  }
0x55: {  	_ =	shalt  }
0x56: {  	_ =	shalt  }
0x57: {  	_ =	shalt  }
0x58: {  	_ =	shalt  }
0x59: {  	_ =	shalt  }
0x5a: {  	_ =	shalt  }
0x5b: {  	_ =	shalt  }
0x5c: {  	_ =	shalt  }
0x5d: {  	_ =	shalt  }
0x5e: {  	_ =	shalt  }
0x5f: {  	_ =	shalt  }
0x60: {  	_ =	shalt  }
0x61: {  	_ =	shalt  }
0x62: {  	_ =	shalt  }
0x63: {  	_ =	shalt  }
0x64: {  	_ =	shalt  }
0x65: {  	_ =	shalt  }
0x66: {  	_ =	shalt  }
0x67: {  	_ =	shalt  }
0x68: {  	_ =	shalt  }
0x69: {  	_ =	shalt  }
0x6a: {  	_ =	shalt  }
0x6b: {  	_ =	shalt  }
0x6c: {  	_ =	shalt  }
0x6d: {  	_ =	shalt  }
0x6e: {  	_ =	shalt  }
0x6f: {  	_ =	shalt  }
0x70: {  	_ =	shalt  }
0x71: {  	_ =	shalt  }
0x72: {  	_ =	shalt  }
0x73: {  	_ =	shalt  }
0x74: {  	_ =	shalt  }
0x75: {  	_ =	shalt  }
0x76: {  	_ =	shalt  }
0x77: {  	_ =	shalt  }
0x78: {  	_ =	shalt  }
0x79: {  	_ =	shalt  }
0x7a: {  	_ =	shalt  }
0x7b: {  	_ =	shalt  }
0x7c: {  	_ =	shalt  }
0x7d: {  	_ =	shalt  }
0x7e: {  	_ =	shalt  }
0x7f: {  	_ =	shalt  }
0x80: {  	_ =	shalt  }
0x81: {  	_ =	shalt  }
0x82: {  	_ =	shalt  }
0x83: {  	_ =	shalt  }
0x84: {  	_ =	shalt  }
0x85: {  	_ =	shalt  }
0x86: {  	_ =	shalt  }
0x87: {  	_ =	shalt  }
.Lfunc_end0:
.L_simem_size_0:
called_computation.1_lowered:
.L_overlay_start_0:
0x88: {  	s2 =	sld [smem:$0x3FD9]  }
0x89: {  	s3 =	sld [smem:$0x3FFE];
	_ =	sdelay $0x1  }
0x8a: {  	s1 =	srdreg.scid  }
0x8b: {  	s0 =	sand.u32 $0x1, s1  }
0x8c: {  	s14 =	sshll.u32 s0, $0xA;
	s2 =	sadd.s32 s3, s2  }
0x8d: {  	s2 =	sadd.s32 s2, s14  }
0x8e: {  	[smem:$0x3FB2] =	sst s2  }
0x8f: {  	_ = 	snop  }
0x90: {  	s2 =	sld [smem:$0x3FD0];
	_ =	sdelay $0x2  }
0x91: {  	s15 =	simm.s32 $0xB;
	s4 =	simm.s32 $0x10  }
0x92: {  	[smem:s4], [sflag:s15] =	dma.local [hbm:s2], $0x1  }
0x93: {  	_ =	swait.eq [sflag:s15], $0x1  }
0x94: {  	[sflag:s15] =	ssyncset.done $0x0  }
0x95: {  	[sflag:s15] =	ssyncadd.s32 $0xFFFFFFFF  }
0x96: {  	s16 =	sld [smem:$0x10];
	(tm) =	ssettm $0x1  }
0x97: {  	s17 =	sld [smem:$0x3FFB];
	_ =	sdelay $0x3  }
0x98: {  	_ =	strace s17  }
0x99: {  	s3 =	sld [smem:$0x3FFC];
	_ =	sdelay $0x3  }
0x9a: {  	_ =	strace s3  }
0x9b: {  	s3 =	sld [smem:$0x3FFD];
	_ =	sdelay $0x3  }
0x9c: {  	_ =	strace s3  }
0x9d: {  	_ =	strace $0x8FFFFFFF  }
0x9e: {  	s18 =	sld [smem:$0x3FDB];
	_ =	sdelay $0x1  }
0x9f: {  	s19 =	simm.s32 $_scs_section_size  }
0xa0: {  	s5 =	simm.s32 $_size__tile_overlayer_lowered;
	s6 =	simm.s32 $_tile_overlayer_lowered  }
0xa1: {  	s22 =	simm.s32 $0x1BFF;
	s21 =	sshll.u32 s6, $0x1;
	s3 =	sadd.s32 s19, s18  }
0xa2: {  	s7 =	simm.s32 $0x0;
	s20 =	sshll.u32 s5, $0x1;
	s5 =	sadd.s32 s21, s3  }
0xa3: {  	[timem:s7], [sflag:s22] =	dma.local [hbm:s5], s20  }
0xa4: {  	_ =	swait.ge [sflag:s22], s20  }
0xa5: {  	s4 =	ssub.s32 $0x0, s20;
	[sflag:s22] =	ssyncset.done $0x0  }
0xa6: {  	[sflag:s22] =	ssyncadd.s32 s4;
	_ =	sdelay $0x1  }
0xa7: {  	s23 =	simm.s32 $0x1B8B  }
0xa8: {  	_ =	swait.ge [sflag:s23], $0x1  }
0xa9: {  	[sflag:s23] =	ssyncset.done $0x0  }
0xaa: {  	s25 =	simm.s32 $0x1B8E;
	s24 =	sld [smem:$0x3FFE];
	[sflag:s23] =	ssyncadd.s32 $0xFFFFFFFF  }
0xab: {  	s26 =	simm.s32 $execute0_lowered;
	[smem:$0x3FD2] =	sst s25  }
0xac: {  	s5 =	sshll.u32 s26, $0x1;
	_ =	strace $0x80000046;
	[dreg:$0x1] =	wrdreg $0xFFFFFFFF  }
0xad: {  	s28 =	simm.s32 $_size_execute0_lowered;
	s3 =	sadd.s32 s3, s5;
	[dreg:$0x0] =	wrdreg $0x0  }
0xae: {  	s5 =	sshll.u32 s28, $0x1;
	[dreg:$0x2] =	wrdreg s3  }
0xaf: {  	[dreg:$0x3] =	wrdreg s5  }
0xb0: {  	[dreg:$0x4] =	wrdreg $0xC0  }
0xb1: {  	_ =	task [dreg:s7], $0x5FFFF  }
0xb2: {  	[dreg:$0x1] =	wrdreg $0xFFFFFFFF  }
0xb3: {  	[dreg:$0x0] =	wrdreg $0x60  }
0xb4: {  	[dreg:$0x2] =	wrdreg s24  }
0xb5: {  	[dreg:$0x3] =	wrdreg s16  }
0xb6: {  	[dreg:$0x4] =	wrdreg $0x0  }
0xb7: {  	[dreg:$0x5] =	wrdreg $0xA  }
0xb8: {  	_ =	task.clear_ibuf [dreg:s7], $0x6FFFF;
	_ =	strace $0x90000046  }
0xb9: {  	s29 =	simm.s32 $0xA;
	_ =	strace $0x80000048  }
0xba: {  	_ =	swait.ge [sflag:s29], $0x1  }
0xbb: {  	[sflag:s29] =	ssyncadd.s32 $0xFFFFFFFF  }
0xbc: {  	_ =	strace $0x90000048  }
0xbd: {  	_ =	sfence  }
0xbe: {  	s30 =	sld [smem:$0x0];
	_ =	sdelay $0x2  }
0xbf: {  	s31 =	sshll.u32 s1, $0xD;
	s1 =	sshrl.u32 s1, $0x2  }
0xc0: {  	s3 =	sand.u32 $0x4000, s31;
	s1 =	sadd.s32 s1, s30  }
0xc1: {  	s0 =	sor.u32 s3, s0;
	s1 =	sshll.u32 s1, $0x11  }
0xc2: {  	s0 =	sor.u32 s1, s0  }
0xc3: {  	s0 =	sadd.s32 $0x8F2B, s0  }
0xc4: {  	[sflag:s0] =	ssyncadd.remote.s32 $0x1  }
0xc5: {  	_ =	sfence.sel $0xFFFF  }
0xc6: {  	[dreg:$0x0] =	wrdreg $0xFFFFFFFF;
	(pc) =	sbr.abs _section_cstart, $3  }
0xc7: {  	[dreg:$0x1] =	wrdreg $0xFFFFFFFF  }
0xc8: {  	_ =	task.clear_ibuf [dreg:s7], $0x2FFFF;
	_ =	strace $0x9FFFFFFF  }
0xc9: {  	(tm) =	ssettm $0x7FFFFFFF  }
tec
execute0_lowered:
.L_overlay_start_1:
0x0: {  	(tag) =	ssettag $0x1  }
0x1: {  	s7 =	rddreg [dreg:$0x0]  }
0x2: {  	s2 =	rddreg [dreg:$0x1]  }
0x3: {  	s3 =	rddreg [dreg:$0x2]  }
0x4: {  	s0 =	rddreg [dreg:$0x3];
	s4 =	simm.s32 $0x0;
	s1 =	stileid.u32  }
0x5: {  	s5 =	srdreg.scid;
	s15 =	simm.s32 $0x13C00;
	s16 =	simm.s32 $0x14C00  }
0x6: {  	s17 =	simm.s32 $0x80;
	s18 =	simm.s32 $0x15C00;
	s19 =	simm.s32 $0x19C00  }
0x7: {  	s20 =	simm.s32 $0x1;
	s21 =	simm.s32 $0x2;
	s22 =	simm.s32 $0x14B80  }
0x8: {  	s23 =	simm.s32 $0x15B00;
	s24 =	simm.s32 $0x15B80;
	[smem:$0x7FF] =	sst s4  }
0x9: {  	s8 =	smul.u32 $0x13C00, s1;
	s9 =	sand.u32 $0x1, s5;
	s5 =	sadd.s32 $0x66600, s7  }
0xa: {  	s6 =	sadd.s32 $0x4400, s7;
	s13 =	smul.u32 $0x4F000, s1;
	s31 =	sshll.u32 s1, $0x6  }
0xb: {  	_ =	strace $0x80000047;
	s10 =	smul.u32 $0x13C000, s9;
	s28 =	ssub.s32 $0x2, s9  }
0xc: {  	s29 =	smul.u32 $0xA00, s9;
	s9 =	sor.u32 $0x1C03, s31;
	s11 =	sshrl.u32 s8, $0x3  }
0xd: {  	s12 =	sshrl.u32 s28, $0x1;
	s30 =	sshrl.u32 s13, $0x2;
	s8 =	sadd.s32 s8, s10  }
0xe: {  	s11 =	sadd.s32 s11, s7;
	s12 =	ssub.s32 s28, s12;
	s8 =	sshrl.u32 s8, $0x3  }
0xf: {  	s13 =	sadd.s32 s30, s3;
	s14 =	sadd.s32 s8, s7;
	s7 =	smul.u32 $0xA0, s1  }
0x10: {  	s12 =	smax.u32 s12, $0x1;
	s13 =	sshrl.u32 s13, $0x3;
	s8 =	sadd.s32 $0xB5600, s11  }
0x11: {  	s11 =	sadd.s32 $0xDCE00, s14;
	s14 =	simm.s32 $0x3;
	s10 =	sadd.s32 s7, s29  }
.LBB2_1:
0x12: {  	[spmem:s13], [sflag:s9] =	dma.local [hbm:s8], $0x2780  }
0x13: {  	_ =	swait.ge [sflag:s14], $0x2780  }
0x14: {  	[sflag:s14] =	ssyncset.done $0x0  }
0x15: {  	[sflag:s14] =	ssyncadd.s32 $0xFFFFD880  }
0x16: {  	s25 =	simm.s32 $0x0;
	[bflag:$0x0] =	sbarrier.arrive $0xFFFF  }
.LBB2_2:
0x17: {  	s26 =	sshll.u32 s25, $0x5  }
0x18: {  	s28 =	sadd.s32 s26, s10  }
0x19: {  	s28 =	sshll.u32 s28, $0x4  }
0x1a: {  	s29 =	simm.s32 $0x0;
	s28 =	sadd.s32 s2, s28  }
0x1b: {  	[tilespmem:s15], [sflag:$0x3] =	stream.linear.gather [hbm4b:s28+s29], $0x1000, $0x38;
	[tilespmem:$0x1DC00] =	vst v63  }
0x1c: {  	s26 =	sadd.s32 s7, s26;
	_ =	swait.ge [sflag:s14], $0x1000  }
0x1d: {  	s26 =	sshll.u32 s26, $0x4;
	[sflag:s14] =	ssyncset.done $0x0  }
0x1e: {  	s26 =	sadd.s32 s6, s26;
	[sflag:s14] =	ssyncadd.s32 $0xFFFFF000  }
0x1f: {  	[tilespmem:s16], [sflag:$0x3] =	stream.linear.gather [hbm4b:s26+s29], $0x1000, $0x38;
	[tilespmem:$0x1DC00] =	vst v63  }
0x20: {  	_ =	swait.ge [sflag:s14], $0x1000  }
0x21: {  	[sflag:s14] =	ssyncset.done $0x0  }
0x22: {  	[sflag:s14] =	ssyncadd.s32 $0xFFFFF000  }
0x23: {  	[tilespmem:s18], [sflag:$0x1] =	stream.indirect.gather [hbm4b:s5+s17], $0x80, s15, s17, $0xb8;
	[tilespmem:$0x1DC00] =	vst v63  }
0x24: {  	s31 =	simm.s32 $0x13C80  }
0x25: {  	[tilespmem:s19], [sflag:$0x2] =	stream.indirect.gather [hbm4b:s5+s17], $0x80, s31, s17, $0xb8;
	[tilespmem:$0x1DC00] =	vst v63  }
0x26: {  	_ =	swait.ge [sflag:s20], $0x4000  }
0x27: {  	[sflag:s20] =	ssyncset.done $0x0  }
0x28: {  	s29 =	simm.s32 $0x14C00;
	[sflag:s20] =	ssyncadd.s32 $0xFFFFC000  }
0x29: {  	[spmem:s3] =	stream.indirect.scatter.add.f32 [tilespmem:s18], [sflag:$0x3], $0x80, s29, s17, $0xb8;
	[tilespmem:$0x1DC00] =	vst v63  }
0x2a: {  	_ =	swait.ge [sflag:s14], $0x4000  }
0x2b: {  	[sflag:s14] =	ssyncset.done $0x0  }
0x2c: {  	s30 =	simm.s32 $0x13D00;
	[sflag:s14] =	ssyncadd.s32 $0xFFFFC000  }
0x2d: {  	[tilespmem:s18], [sflag:$0x1] =	stream.indirect.gather [hbm4b:s5+s17], $0x80, s30, s17, $0xb8;
	[tilespmem:$0x1DC00] =	vst v63  }
0x2e: {  	_ =	swait.ge [sflag:s21], $0x4000  }
0x2f: {  	[sflag:s21] =	ssyncset.done $0x0  }
0x30: {  	s31 =	simm.s32 $0x14C80;
	[sflag:s21] =	ssyncadd.s32 $0xFFFFC000  }
0x31: {  	[spmem:s3] =	stream.indirect.scatter.add.f32 [tilespmem:s19], [sflag:$0x3], $0x80, s31, s17, $0xb8;
	[tilespmem:$0x1DC00] =	vst v63  }
0x32: {  	_ =	swait.ge [sflag:s14], $0x4000  }
0x33: {  	s28 =	simm.s32 $0x800;
	s26 =	simm.s32 $0x100;
	[sflag:s14] =	ssyncset.done $0x0  }
.LBB2_3:
0x34: {  	s29 =	sadd.s32 $0x13C80, s26  }
0x35: {  	[sflag:s14] =	ssyncadd.s32 $0xFFFFC000;
	s30 =	smov.u32 s28;
	s31 =	sadd.s32 $0x400, s28  }
0x36: {  	[tilespmem:s19], [sflag:$0x2] =	stream.indirect.gather [hbm4b:s5+s17], $0x80, s29, s17, $0xb8;
	[tilespmem:$0x1DC00] =	vst v63  }
0x37: {  	p0 =	sne.s32 s28, $0x3800;
	_ =	swait.ge [sflag:s20], $0x4000  }
0x38: {  	[sflag:s20] =	ssyncset.done $0x0  }
0x39: {  	s28 =	sadd.s32 $0x14C00, s26;
	[sflag:s20] =	ssyncadd.s32 $0xFFFFC000  }
0x3a: {  	[spmem:s3] =	stream.indirect.scatter.add.f32 [tilespmem:s18], [sflag:$0x3], $0x80, s28, s17, $0xb8;
	[tilespmem:$0x1DC00] =	vst v63  }
0x3b: {  	_ =	swait.ge [sflag:s14], $0x4000  }
0x3c: {  	[sflag:s14] =	ssyncset.done $0x0  }
0x3d: {  	s28 =	sadd.s32 $0x13D00, s26;
	[sflag:s14] =	ssyncadd.s32 $0xFFFFC000  }
0x3e: {  	[tilespmem:s18], [sflag:$0x1] =	stream.indirect.gather [hbm4b:s5+s17], $0x80, s28, s17, $0xb8;
	[tilespmem:$0x1DC00] =	vst v63  }
0x3f: {  	_ =	swait.ge [sflag:s21], $0x4000  }
.Ltmp0:
0x40: {  	[sflag:s21] =	ssyncset.done $0x0;
	(pc) =	sbr.rel @p0 .LBB2_3-.Ltmp0, $4  }
0x41: {  	s26 =	sadd.s32 $0x14C80, s26;
	[sflag:s21] =	ssyncadd.s32 $0xFFFFC000  }
0x42: {  	[spmem:s3] =	stream.indirect.scatter.add.f32 [tilespmem:s19], [sflag:$0x3], $0x80, s26, s17, $0xb8;
	[tilespmem:$0x1DC00] =	vst v63  }
0x43: {  	_ =	swait.ge [sflag:s14], $0x4000  }
0x44: {  	s28 =	smov.u32 s31;
	s26 =	sshra.s32 s30, $0x2;
	[sflag:s14] =	ssyncset.done $0x0  }
0x45: {  	s28 =	sadd.s32 $0x13C80, s26;
	[sflag:s14] =	ssyncadd.s32 $0xFFFFC000  }
0x46: {  	[tilespmem:s19], [sflag:$0x2] =	stream.indirect.gather [hbm4b:s5+s17], $0x80, s28, s17, $0xb8;
	[tilespmem:$0x1DC00] =	vst v63  }
0x47: {  	_ =	swait.ge [sflag:s20], $0x4000  }
0x48: {  	[sflag:s20] =	ssyncset.done $0x0  }
0x49: {  	s29 =	sadd.s32 $0x14C00, s26;
	[sflag:s20] =	ssyncadd.s32 $0xFFFFC000  }
0x4a: {  	[spmem:s3] =	stream.indirect.scatter.add.f32 [tilespmem:s18], [sflag:$0x3], $0x80, s29, s17, $0xb8;
	[tilespmem:$0x1DC00] =	vst v63  }
0x4b: {  	_ =	swait.ge [sflag:s14], $0x4000  }
0x4c: {  	[sflag:s14] =	ssyncset.done $0x0  }
0x4d: {  	s30 =	sadd.s32 $0x13D00, s26;
	[sflag:s14] =	ssyncadd.s32 $0xFFFFC000  }
0x4e: {  	[tilespmem:s18], [sflag:$0x1] =	stream.indirect.gather [hbm4b:s5+s17], $0x80, s30, s17, $0xb8;
	[tilespmem:$0x1DC00] =	vst v63  }
0x4f: {  	_ =	swait.ge [sflag:s21], $0x4000  }
0x50: {  	[sflag:s21] =	ssyncset.done $0x0  }
0x51: {  	s31 =	sadd.s32 $0x14C80, s26;
	[sflag:s21] =	ssyncadd.s32 $0xFFFFC000  }
0x52: {  	[spmem:s3] =	stream.indirect.scatter.add.f32 [tilespmem:s19], [sflag:$0x3], $0x80, s31, s17, $0xb8;
	[tilespmem:$0x1DC00] =	vst v63  }
0x53: {  	_ =	swait.ge [sflag:s14], $0x4000  }
0x54: {  	[sflag:s14] =	ssyncset.done $0x0  }
0x55: {  	[sflag:s14] =	ssyncadd.s32 $0xFFFFC000  }
0x56: {  	[tilespmem:s19], [sflag:$0x2] =	stream.indirect.gather [hbm4b:s5+s17], $0x80, s22, s17, $0xb8;
	[tilespmem:$0x1DC00] =	vst v63  }
0x57: {  	_ =	swait.ge [sflag:s20], $0x4000  }
0x58: {  	[sflag:s20] =	ssyncset.done $0x0  }
0x59: {  	[sflag:s20] =	ssyncadd.s32 $0xFFFFC000  }
0x5a: {  	[spmem:s3] =	stream.indirect.scatter.add.f32 [tilespmem:s18], [sflag:$0x3], $0x80, s23, s17, $0xb8;
	[tilespmem:$0x1DC00] =	vst v63  }
0x5b: {  	_ =	swait.ge [sflag:s14], $0x4000  }
0x5c: {  	[sflag:s14] =	ssyncset.done $0x0  }
0x5d: {  	[sflag:s14] =	ssyncadd.s32 $0xFFFFC000  }
0x5e: {  	[tilespmem:s18], [sflag:$0x1] =	stream.indirect.gather [hbm4b:s5+s17], $0x80, s22, s17, $0xb8;
	[tilespmem:$0x1DC00] =	vst v63  }
0x5f: {  	_ =	swait.ge [sflag:s21], $0x4000  }
0x60: {  	[sflag:s21] =	ssyncset.done $0x0  }
0x61: {  	s25 =	sadd.s32 $0x1, s25;
	[sflag:s21] =	ssyncadd.s32 $0xFFFFC000  }
0x62: {  	[spmem:s3] =	stream.indirect.scatter.add.f32 [tilespmem:s19], [sflag:$0x3], $0x80, s24, s17, $0xb8;
	[tilespmem:$0x1DC00] =	vst v63  }
0x63: {  	p0 =	sne.s32 s25, $0x5;
	_ =	swait.ge [sflag:s14], $0x4000  }
.Ltmp1:
0x64: {  	[sflag:s14] =	ssyncset.done $0x0;
	(pc) =	sbr.rel @p0 .LBB2_2-.Ltmp1, $4  }
0x65: {  	[sflag:s14] =	ssyncadd.s32 $0xFFFFC000  }
0x66: {  	_ =	swait.ge [sflag:s20], $0x4000  }
0x67: {  	[sflag:s20] =	ssyncset.done $0x0  }
0x68: {  	[sflag:s20] =	ssyncadd.s32 $0xFFFFC000  }
0x69: {  	s4 =	sadd.s32 $0x1, s4  }
0x6a: {  	p0 =	sne.s32 s4, s12  }
.Ltmp2:
0x6b: {  	[bflag:$0x0] =	sbarrier.arrive $0xFFFF;
	(pc) =	sbr.rel @p0 .LBB2_1-.Ltmp2, $4  }
0x6c: {  	[hbm:s11], [sflag:s9] =	dma.local [spmem:s13], $0x2780  }
0x6d: {  	_ =	swait.ge [sflag:s14], $0x2780  }
0x6e: {  	[sflag:s14] =	ssyncset.done $0x0  }
0x6f: {  	[sflag:s14] =	ssyncadd.s32 $0xFFFFD880  }
0x70: {  	_ =	sfence.sel $0x180000  }
0x71: {  	[bflag:$0x0] =	sbarrier.arrive $0xFFFF  }
0x72: {  	p0 =	sne.s32 s1, $0x0;
	_ =	strace $0x90000047  }
0x73: {  	s0 =	sadd.s32 @!p0 $0x100000, s0;
	[bflag:$0x2] =	sbarrier.arrive $0xFFFF  }
0x74: {  	[sflag:s0] =	ssyncadd.tile.s32 @!p0 $0x1;
	_ =	shalt  }
.Lfunc_end2:
_tile_overlayer_lowered:
.L_overlay_start_2:
0x75: {  	(tag) =	ssettag $0x2  }
0x76: {  	s0 =	rddreg [dreg:$0x0];
	s2 =	stileid.u32  }
0x77: {  	s1 =	rddreg [dreg:$0x1];
	p0 =	sne.s32 s2, $0x0  }
0x78: {  	s3 =	rddreg [dreg:$0x2];
	[bflag:$0x3] =	sbarrier.arrive $0xFFFF;
	s2 =	simm.s32 @!p0 $0x1C03  }
0x79: {  	[timem:s3], [sflag:s2] =	dma.local @!p0 [hbm:s0], s1  }
0x7a: {  	s0 =	simm.s32 @!p0 $0x3  }
0x7b: {  	_ =	swait.ge @!p0 [sflag:s0], s1  }
0x7c: {  	s1 =	ssub.s32 @!p0 $0x0, s1;
	[sflag:s0] =	ssyncset.done @!p0 $0x0  }
0x7d: {  	[sflag:s0] =	ssyncadd.s32 @!p0 s1  }
0x7e: {  	[bflag:$0x3] =	sbarrier.arrive $0xFFFF  }
0x7f: {  	_ =	shalt  }

// kernel: kernel.14.cloned.1.call-start
scs
__scs_entry_jumppad:
0x0: {  	(pc) =	sbr.rel $0x88, $3  }
0x1: {  	(tag) =	ssettag $0x0;
	lr =	simm.s32 $0x1  }
0x2: {  	[smem:$0x3F8B] =	sst lr;
	_ =	strace $0xD0000000  }
0x3: {  	_ = 	snop  }
0x4: {  	_ = 	snop  }
0x5: {  	_ = 	snop  }
0x6: {  	_ = 	snop  }
0x7: {  	_ = 	snop  }
__scs_overlays_trampoline_lowered:
0x8: {  	[smem:$0x3F9A] =	sst s0  }
0x9: {  	[smem:$0x3F9B] =	sst s1  }
0xa: {  	[smem:$0x3F9C] =	sst s2  }
0xb: {  	[smem:$0x3F9D] =	sst s3  }
0xc: {  	[smem:$0x3F9E] =	sst s4  }
0xd: {  	[smem:$0x3F9F] =	sst s5  }
0xe: {  	[smem:$0x3FA0] =	sst s6  }
0xf: {  	[smem:$0x3FA1] =	sst s7  }
0x10: {  	[smem:$0x3FA2] =	sst s8  }
0x11: {  	[smem:$0x3FA3] =	sst s9;
	s0 =	simm.s32 @!p0 $0x0  }
0x12: {  	s1 =	sld [smem:$0x3F89];
	s0 =	simm.s32 @p0 $0x1  }
0x13: {  	[smem:$0x3FA4] =	sst s0;
	s0 =	simm.s32 @!p1 $0x0  }
0x14: {  	s2 =	sld [smem:$0x3F88];
	s0 =	simm.s32 @p1 $0x1  }
0x15: {  	[smem:$0x3FA5] =	sst s0;
	s0 =	simm.s32 @!p2 $0x0  }
0x16: {  	s3 =	sld [smem:$0x3FDB];
	s0 =	simm.s32 @p2 $0x1  }
0x17: {  	s4 =	simm.s32 $0x1BF5;
	[smem:$0x3FA7] =	sst s0  }
0x18: {  	s0 =	sld [smem:$0x3F8A];
	_ =	swait.ge [sflag:s4], $0x0  }
0x19: {  	s7 =	sld [smem:$0x3F8B]  }
0x1a: {  	s8 =	sadd.s32 $0xFFFFE003, lr  }
0x1b: {  	s9 =	sadd.s32 $0xFFFFFEF7, lr;
	s5 =	simm.s32 $0xFFFFFFFF;
	p2 =	slt.u32 s8, $0xFFFFF086  }
0x1c: {  	p1 =	slt.u32 s9, $0xF7A;
	s5 =	simm.s32 @!p2 $0x0  }
0x1d: {  	s5 =	simm.s32 @p1 $0x1;
	p0 =	seq.s32 s7, s2  }
0x1e: {  	s7 =	smul.u32 @!p0 $0xF7A, s2;
	p2 =	seq.s32 @!p0 s5, $0x0  }
0x1f: {  	s9 =	smul.u32 $0xF7A, s1;
	s8 =	simm.s32 @!p0 $0x1BF5;
	p2 =	por !p2, p0  }
0x20: {  	[sflag:s8] =	ssyncset.s32 @!p0 $0xFFFFF086;
	s6 =	sadd.s32 @!p0 s3, s7;
	s7 =	simm.s32 @!p0 $0x108  }
0x21: {  	s3 =	sadd.s32 s3, s9;
	s6 =	sadd.s32 @!p0 $0x88, s6;
	s7 =	simm.s32 @p2 $0x1082  }
0x22: {  	[simem:s7], [sflag:s8] =	dma.local @!p0 [hbm:s6], $0xF7A  }
0x23: {  	s9 =	sor.u32 $0xD0000000, s2;
	s6 =	simm.s32 $0x108;
	_ =	swait.ge @!p0 [sflag:s8], $0x0  }
0x24: {  	s3 =	sadd.s32 $0x88, s3;
	s6 =	simm.s32 @!p1 $0x1082;
	[sflag:s4] =	ssyncset.s32 $0xFFFFF086  }
0x25: {  	[simem:s6], [sflag:s4] =	dma.local [hbm:s3], $0xF7A  }
0x26: {  	[smem:$0x3F8B] =	sst s1;
	(tag) =	ssettag s2;
	_ =	strace s9  }
0x27: {  	s1 =	sld [smem:$0x3F9B]  }
0x28: {  	s2 =	sld [smem:$0x3F9C]  }
0x29: {  	s4 =	sld [smem:$0x3F9E]  }
0x2a: {  	p0 =	seq.s32 s5, $0x0;
	s5 =	sld [smem:$0x3F9F]  }
0x2b: {  	s6 =	sld [smem:$0x3FA0]  }
0x2c: {  	s7 =	sld [smem:$0x3FA1]  }
0x2d: {  	s3 =	simm.s32 $0x108;
	s8 =	sld [smem:$0x3FA2]  }
0x2e: {  	s3 =	simm.s32 @!p0 $0x1082;
	s9 =	sld [smem:$0x3FA3]  }
0x2f: {  	lr =	sadd.s32 s0, s3;
	s0 =	sld [smem:$0x3F9A]  }
0x30: {  	s3 =	sld [smem:$0x3F9D]  }
0x31: {  	[smem:$0x3FA6] =	sst s10  }
0x32: {  	s10 =	sld [smem:$0x3FA4];
	_ =	sdelay $0x3  }
0x33: {  	p0 =	seq.s32 s10, $0x1;
	s10 =	sld [smem:$0x3FA6];
	_ =	sdelay $0x3  }
0x34: {  	[smem:$0x3FA6] =	sst s10  }
0x35: {  	s10 =	sld [smem:$0x3FA5];
	_ =	sdelay $0x3  }
0x36: {  	p1 =	seq.s32 s10, $0x1;
	s10 =	sld [smem:$0x3FA6];
	_ =	sdelay $0x3  }
0x37: {  	[smem:$0x3FA6] =	sst s10  }
0x38: {  	s10 =	sld [smem:$0x3FA7]  }
0x39: {  	_ = 	snop;
	(pc) =	sbr.ind lr, $3  }
0x3a: {  	_ = 	snop  }
0x3b: {  	_ = 	snop  }
0x3c: {  	p2 =	seq.s32 s10, $0x1;
	s10 =	sld [smem:$0x3FA6]  }
0x3d: {  	_ =	shalt  }
0x3e: {  	_ =	shalt  }
0x3f: {  	_ =	shalt  }
0x40: {  	_ =	shalt  }
0x41: {  	_ =	shalt  }
0x42: {  	_ =	shalt  }
0x43: {  	_ =	shalt  }
0x44: {  	_ =	shalt  }
0x45: {  	_ =	shalt  }
0x46: {  	_ =	shalt  }
0x47: {  	_ =	shalt  }
0x48: {  	_ =	shalt  }
0x49: {  	_ =	shalt  }
0x4a: {  	_ =	shalt  }
0x4b: {  	_ =	shalt  }
0x4c: {  	_ =	shalt  }
0x4d: {  	_ =	shalt  }
0x4e: {  	_ =	shalt  }
0x4f: {  	_ =	shalt  }
0x50: {  	_ =	shalt  }
0x51: {  	_ =	shalt  }
0x52: {  	_ =	shalt  }
0x53: {  	_ =	shalt  }
0x54: {  	_ =	shalt  }
0x55: {  	_ =	shalt  }
0x56: {  	_ =	shalt  }
0x57: {  	_ =	shalt  }
0x58: {  	_ =	shalt  }
0x59: {  	_ =	shalt  }
0x5a: {  	_ =	shalt  }
0x5b: {  	_ =	shalt  }
0x5c: {  	_ =	shalt  }
0x5d: {  	_ =	shalt  }
0x5e: {  	_ =	shalt  }
0x5f: {  	_ =	shalt  }
0x60: {  	_ =	shalt  }
0x61: {  	_ =	shalt  }
0x62: {  	_ =	shalt  }
0x63: {  	_ =	shalt  }
0x64: {  	_ =	shalt  }
0x65: {  	_ =	shalt  }
0x66: {  	_ =	shalt  }
0x67: {  	_ =	shalt  }
0x68: {  	_ =	shalt  }
0x69: {  	_ =	shalt  }
0x6a: {  	_ =	shalt  }
0x6b: {  	_ =	shalt  }
0x6c: {  	_ =	shalt  }
0x6d: {  	_ =	shalt  }
0x6e: {  	_ =	shalt  }
0x6f: {  	_ =	shalt  }
0x70: {  	_ =	shalt  }
0x71: {  	_ =	shalt  }
0x72: {  	_ =	shalt  }
0x73: {  	_ =	shalt  }
0x74: {  	_ =	shalt  }
0x75: {  	_ =	shalt  }
0x76: {  	_ =	shalt  }
0x77: {  	_ =	shalt  }
0x78: {  	_ =	shalt  }
0x79: {  	_ =	shalt  }
0x7a: {  	_ =	shalt  }
0x7b: {  	_ =	shalt  }
0x7c: {  	_ =	shalt  }
0x7d: {  	_ =	shalt  }
0x7e: {  	_ =	shalt  }
0x7f: {  	_ =	shalt  }
0x80: {  	_ =	shalt  }
0x81: {  	_ =	shalt  }
0x82: {  	_ =	shalt  }
0x83: {  	_ =	shalt  }
0x84: {  	_ =	shalt  }
0x85: {  	_ =	shalt  }
0x86: {  	_ =	shalt  }
0x87: {  	_ =	shalt  }
.Lfunc_end0:
.L_simem_size_0:
called_computation.2_lowered:
.L_overlay_start_0:
0x88: {  	s2 =	sld [smem:$0x3FD9]  }
0x89: {  	s3 =	sld [smem:$0x3FFE];
	_ =	sdelay $0x1  }
0x8a: {  	s1 =	srdreg.scid  }
0x8b: {  	s0 =	sand.u32 $0x1, s1  }
0x8c: {  	s16 =	sshll.u32 s0, $0xA;
	s2 =	sadd.s32 s3, s2  }
0x8d: {  	s2 =	sadd.s32 s2, s16  }
0x8e: {  	[smem:$0x3FB2] =	sst s2  }
0x8f: {  	_ = 	snop  }
0x90: {  	(tm) =	ssettm $0x1  }
0x91: {  	s17 =	sld [smem:$0x3FFB];
	_ =	sdelay $0x3  }
0x92: {  	_ =	strace s17  }
0x93: {  	s2 =	sld [smem:$0x3FFC];
	_ =	sdelay $0x3  }
0x94: {  	_ =	strace s2  }
0x95: {  	s2 =	sld [smem:$0x3FFD];
	_ =	sdelay $0x3  }
0x96: {  	_ =	strace s2  }
0x97: {  	_ =	strace $0x8FFFFFFF  }
0x98: {  	s18 =	sld [smem:$0x3FDB];
	_ =	sdelay $0x1  }
0x99: {  	s19 =	simm.s32 $_scs_section_size  }
0x9a: {  	s4 =	simm.s32 $_size__tile_overlayer_lowered;
	s5 =	simm.s32 $_tile_overlayer_lowered  }
0x9b: {  	s22 =	simm.s32 $0x1BFF;
	s21 =	sshll.u32 s5, $0x1;
	s2 =	sadd.s32 s19, s18  }
0x9c: {  	s6 =	simm.s32 $0x0;
	s20 =	sshll.u32 s4, $0x1;
	s4 =	sadd.s32 s21, s2  }
0x9d: {  	[timem:s6], [sflag:s22] =	dma.local [hbm:s4], s20  }
0x9e: {  	_ =	swait.ge [sflag:s22], s20  }
0x9f: {  	s3 =	ssub.s32 $0x0, s20;
	[sflag:s22] =	ssyncset.done $0x0  }
0xa0: {  	[sflag:s22] =	ssyncadd.s32 s3;
	_ =	sdelay $0x1  }
0xa1: {  	s23 =	simm.s32 $0x1B8B  }
0xa2: {  	_ =	swait.ge [sflag:s23], $0x1  }
0xa3: {  	[sflag:s23] =	ssyncset.done $0x0  }
0xa4: {  	s25 =	simm.s32 $0x1B8E;
	s24 =	sld [smem:$0x3FFE];
	[sflag:s23] =	ssyncadd.s32 $0xFFFFFFFF  }
0xa5: {  	s26 =	simm.s32 $execute0_lowered;
	[smem:$0x3FD2] =	sst s25  }
0xa6: {  	s4 =	sshll.u32 s26, $0x1;
	_ =	strace $0x8000004C;
	[dreg:$0x1] =	wrdreg $0xFFFFFFFF  }
0xa7: {  	s28 =	simm.s32 $_size_execute0_lowered;
	s2 =	sadd.s32 s2, s4;
	[dreg:$0x0] =	wrdreg $0x0  }
0xa8: {  	s4 =	sshll.u32 s28, $0x1;
	[dreg:$0x2] =	wrdreg s2  }
0xa9: {  	[dreg:$0x3] =	wrdreg s4  }
0xaa: {  	[dreg:$0x4] =	wrdreg $0xC0  }
0xab: {  	_ =	task [dreg:s6], $0x5FFFF  }
0xac: {  	[dreg:$0x1] =	wrdreg $0xFFFFFFFF  }
0xad: {  	[dreg:$0x0] =	wrdreg $0x60  }
0xae: {  	[dreg:$0x2] =	wrdreg s24  }
0xaf: {  	[dreg:$0x3] =	wrdreg $0x0  }
0xb0: {  	[dreg:$0x4] =	wrdreg $0x9  }
0xb1: {  	_ =	task.clear_ibuf [dreg:s6], $0x5FFFF;
	_ =	strace $0x9000004C  }
0xb2: {  	s29 =	simm.s32 $0x9;
	_ =	strace $0x8000004E  }
0xb3: {  	_ =	swait.ge [sflag:s29], $0x1  }
0xb4: {  	[sflag:s29] =	ssyncadd.s32 $0xFFFFFFFF  }
0xb5: {  	_ =	strace $0x9000004E  }
0xb6: {  	_ =	sfence  }
0xb7: {  	s30 =	sld [smem:$0x0];
	_ =	sdelay $0x2  }
0xb8: {  	s31 =	sshll.u32 s1, $0xD;
	s1 =	sshrl.u32 s1, $0x2  }
0xb9: {  	s3 =	sand.u32 $0x4000, s31;
	s1 =	sadd.s32 s1, s30  }
0xba: {  	s0 =	sor.u32 s3, s0;
	s1 =	sshll.u32 s1, $0x11  }
0xbb: {  	s0 =	sor.u32 s1, s0  }
0xbc: {  	s0 =	sadd.s32 $0x8F2B, s0  }
0xbd: {  	[sflag:s0] =	ssyncadd.remote.s32 $0x1  }
0xbe: {  	_ =	sfence.sel $0xFFFF  }
0xbf: {  	[dreg:$0x0] =	wrdreg $0xFFFFFFFF;
	(pc) =	sbr.abs _section_cstart, $3  }
0xc0: {  	[dreg:$0x1] =	wrdreg $0xFFFFFFFF  }
0xc1: {  	_ =	task.clear_ibuf [dreg:s6], $0x2FFFF;
	_ =	strace $0x9FFFFFFF  }
0xc2: {  	(tm) =	ssettm $0x7FFFFFFF  }
0xc3: {  	_ =	shalt  }
tec
execute0_lowered:
.L_overlay_start_1:
0x0: {  	(tag) =	ssettag $0x1  }
0x1: {  	s0 =	srdreg.scid;
	s1 =	rddreg [dreg:$0x0]  }
0x2: {  	s9 =	stileid.u32;
	s2 =	rddreg [dreg:$0x1];
	s3 =	simm.s32 $0x0  }
0x3: {  	s12 =	simm.s32 $0x13C80;
	s14 =	simm.s32 $0x13D00;
	s15 =	simm.s32 $0x14480  }
0x4: {  	s16 =	simm.s32 $0x13D80;
	s17 =	simm.s32 $0x14500;
	s18 =	simm.s32 $0x13E00  }
0x5: {  	s19 =	simm.s32 $0x14580;
	s20 =	simm.s32 $0x13E80;
	[smem:$0x7FF] =	sst s3  }
0x6: {  	s21 =	simm.s32 $0x14600;
	_ =	strace $0x8000004D;
	[dreg:$0x5] =	wrdreg s12  }
0x7: {  	s22 =	simm.s32 $0x13F00;
	s23 =	simm.s32 $0x14680;
	[dreg:$0x6] =	wrdreg s14  }
0x8: {  	s24 =	simm.s32 $0x13F80;
	s28 =	simm.s32 $0x14280;
	[dreg:$0x7] =	wrdreg s15  }
0x9: {  	s29 =	simm.s32 $0x14A00;
	s30 =	simm.s32 $0x14300;
	[dreg:$0x8] =	wrdreg s16  }
0xa: {  	s31 =	simm.s32 $0x14A80;
	s5 =	smul.u32 $0x2800, s9;
	[dreg:$0x9] =	wrdreg s17  }
0xb: {  	s0 =	sand.u32 $0x1, s0;
	s6 =	smul.u32 $0x13C00, s9;
	[dreg:$0xa] =	wrdreg s18  }
0xc: {  	s25 =	smul.u32 $0x4F000, s9;
	s13 =	sshll.u32 s9, $0x6;
	[dreg:$0xb] =	wrdreg s19  }
0xd: {  	s9 =	simm.s32 $0x0;
	s4 =	smul.u32 $0x28000, s0;
	[dreg:$0xc] =	wrdreg s20  }
0xe: {  	s7 =	smul.u32 $0x13C000, s0;
	s0 =	ssub.s32 $0x2, s0;
	[dreg:$0xd] =	wrdreg s21  }
0xf: {  	s12 =	simm.s32 $0x14400;
	s14 =	simm.s32 $0x14C00;
	[dreg:$0xe] =	wrdreg s22  }
0x10: {  	s15 =	simm.s32 $0x18C00;
	[dreg:$0xf] =	wrdreg s23;
	s16 =	simm.s32 $0x1  }
0x11: {  	[dreg:$0x10] =	wrdreg s24;
	s17 =	simm.s32 $0x2;
	s18 =	simm.s32 $0x14780  }
0x12: {  	s19 =	simm.s32 $0x14080;
	s20 =	simm.s32 $0x14800;
	s21 =	simm.s32 $0x14100  }
0x13: {  	s22 =	simm.s32 $0x14880;
	s23 =	simm.s32 $0x14180;
	s24 =	simm.s32 $0x14900  }
0x14: {  	s8 =	sshrl.u32 s6, $0x3;
	s26 =	sshrl.u32 s0, $0x1;
	s5 =	sadd.s32 s5, s4  }
0x15: {  	s4 =	sadd.s32 $0x18400, s1;
	s6 =	sadd.s32 s6, s7;
	s8 =	sadd.s32 s8, s1  }
0x16: {  	s0 =	ssub.s32 s0, s26;
	s7 =	sshrl.u32 s25, $0x2;
	s25 =	simm.s32 $0x14700  }
0x17: {  	s26 =	simm.s32 $0x14000;
	s5 =	sshrl.u32 s5, $0x3;
	s6 =	sshrl.u32 s6, $0x3  }
0x18: {  	s11 =	sadd.s32 $0xB5600, s8;
	s0 =	smax.u32 s0, $0x1;
	[dreg:$0x11] =	wrdreg s25  }
0x19: {  	[dreg:$0x12] =	wrdreg s26;
	s25 =	simm.s32 $0x14200;
	s26 =	simm.s32 $0x14980  }
0x1a: {  	s5 =	sadd.s32 s5, s1;
	s1 =	sadd.s32 s6, s1;
	[dreg:$0x13] =	wrdreg s11  }
0x1b: {  	s6 =	sadd.s32 s7, s2;
	s7 =	sor.u32 $0x1C03, s13;
	[dreg:$0x16] =	wrdreg s0  }
0x1c: {  	s11 =	simm.s32 $0x13C00;
	s10 =	sadd.s32 $0x4400, s5;
	[dreg:$0x14] =	wrdreg s7  }
0x1d: {  	s13 =	simm.s32 $0x80;
	s5 =	sadd.s32 $0xE400, s5;
	[dreg:$0x3] =	wrdreg s10  }
0x1e: {  	s0 =	simm.s32 $0x14B00;
	s1 =	sadd.s32 $0xDCE00, s1;
	[dreg:$0x4] =	wrdreg s5  }
0x1f: {  	s8 =	sshrl.u32 s6, $0x3;
	[dreg:$0x15] =	wrdreg s1;
	s10 =	simm.s32 $0x3  }
0x20: {  	s1 =	simm.s32 $0x14380;
	s5 =	simm.s32 $0x14B80;
	[dreg:$0x17] =	wrdreg s8  }
.LBB2_1:
0x21: {  	[dreg:$0x18] =	wrdreg s9  }
0x22: {  	s6 =	rddreg [dreg:$0x13]  }
0x23: {  	[spmem:s8], [sflag:s7] =	dma.local [hbm:s6], $0x2780  }
0x24: {  	_ =	swait.ge [sflag:s10], $0x2780  }
0x25: {  	[sflag:s10] =	ssyncset.done $0x0  }
0x26: {  	[sflag:s10] =	ssyncadd.s32 $0xFFFFD880  }
0x27: {  	[bflag:$0x0] =	sbarrier.arrive $0xFFFF  }
0x28: {  	s9 =	rddreg [dreg:$0x4]  }
0x29: {  	s6 =	sadd.s32 $0x0, s9  }
0x2a: {  	[tilespmem:s11], [sflag:$0x3] =	stream.linear.gather [hbm4b:s6+s3], $0x800, $0x38;
	[tilespmem:$0x1CC00] =	vst v63  }
0x2b: {  	_ =	swait.ge [sflag:s10], $0x800  }
0x2c: {  	s7 =	rddreg [dreg:$0x3];
	[sflag:s10] =	ssyncset.done $0x0  }
0x2d: {  	[sflag:s10] =	ssyncadd.s32 $0xFFFFF800;
	s6 =	sadd.s32 $0x0, s7  }
0x2e: {  	[tilespmem:s12], [sflag:$0x3] =	stream.linear.gather [hbm4b:s6+s3], $0x800, $0x38;
	[tilespmem:$0x1CC00] =	vst v63  }
0x2f: {  	_ =	swait.ge [sflag:s10], $0x800  }
0x30: {  	[sflag:s10] =	ssyncset.done $0x0  }
0x31: {  	[sflag:s10] =	ssyncadd.s32 $0xFFFFF800  }
0x32: {  	[tilespmem:s14], [sflag:$0x1] =	stream.indirect.gather [hbm4b:s4+s13], $0x80, s11, s13, $0xb8;
	[tilespmem:$0x1CC00] =	vst v63  }
0x33: {  	s8 =	rddreg [dreg:$0x5]  }
0x34: {  	[tilespmem:s15], [sflag:$0x2] =	stream.indirect.gather [hbm4b:s4+s13], $0x80, s8, s13, $0xb8;
	[tilespmem:$0x1CC00] =	vst v63  }
0x35: {  	_ =	swait.ge [sflag:s16], $0x4000  }
0x36: {  	[sflag:s16] =	ssyncset.done $0x0  }
0x37: {  	[sflag:s16] =	ssyncadd.s32 $0xFFFFC000  }
0x38: {  	[spmem:s2] =	stream.indirect.scatter.add.f32 [tilespmem:s14], [sflag:$0x3], $0x80, s12, s13, $0xb8;
	[tilespmem:$0x1CC00] =	vst v63  }
0x39: {  	_ =	swait.ge [sflag:s10], $0x4000  }
0x3a: {  	[sflag:s10] =	ssyncset.done $0x0  }
0x3b: {  	s9 =	rddreg [dreg:$0x6];
	[sflag:s10] =	ssyncadd.s32 $0xFFFFC000  }
0x3c: {  	[tilespmem:s14], [sflag:$0x1] =	stream.indirect.gather [hbm4b:s4+s13], $0x80, s9, s13, $0xb8;
	[tilespmem:$0x1CC00] =	vst v63  }
0x3d: {  	_ =	swait.ge [sflag:s17], $0x4000  }
0x3e: {  	[sflag:s17] =	ssyncset.done $0x0  }
0x3f: {  	s7 =	rddreg [dreg:$0x7];
	[sflag:s17] =	ssyncadd.s32 $0xFFFFC000  }
0x40: {  	[spmem:s2] =	stream.indirect.scatter.add.f32 [tilespmem:s15], [sflag:$0x3], $0x80, s7, s13, $0xb8;
	[tilespmem:$0x1CC00] =	vst v63  }
0x41: {  	_ =	swait.ge [sflag:s10], $0x4000  }
0x42: {  	[sflag:s10] =	ssyncset.done $0x0  }
0x43: {  	s8 =	rddreg [dreg:$0x8];
	[sflag:s10] =	ssyncadd.s32 $0xFFFFC000  }
0x44: {  	[tilespmem:s15], [sflag:$0x2] =	stream.indirect.gather [hbm4b:s4+s13], $0x80, s8, s13, $0xb8;
	[tilespmem:$0x1CC00] =	vst v63  }
0x45: {  	_ =	swait.ge [sflag:s16], $0x4000  }
0x46: {  	[sflag:s16] =	ssyncset.done $0x0  }
0x47: {  	s9 =	rddreg [dreg:$0x9];
	[sflag:s16] =	ssyncadd.s32 $0xFFFFC000  }
0x48: {  	[spmem:s2] =	stream.indirect.scatter.add.f32 [tilespmem:s14], [sflag:$0x3], $0x80, s9, s13, $0xb8;
	[tilespmem:$0x1CC00] =	vst v63  }
0x49: {  	_ =	swait.ge [sflag:s10], $0x4000  }
0x4a: {  	[sflag:s10] =	ssyncset.done $0x0  }
0x4b: {  	s7 =	rddreg [dreg:$0xa];
	[sflag:s10] =	ssyncadd.s32 $0xFFFFC000  }
0x4c: {  	[tilespmem:s14], [sflag:$0x1] =	stream.indirect.gather [hbm4b:s4+s13], $0x80, s7, s13, $0xb8;
	[tilespmem:$0x1CC00] =	vst v63  }
0x4d: {  	_ =	swait.ge [sflag:s17], $0x4000  }
0x4e: {  	[sflag:s17] =	ssyncset.done $0x0  }
0x4f: {  	s8 =	rddreg [dreg:$0xb];
	[sflag:s17] =	ssyncadd.s32 $0xFFFFC000  }
0x50: {  	[spmem:s2] =	stream.indirect.scatter.add.f32 [tilespmem:s15], [sflag:$0x3], $0x80, s8, s13, $0xb8;
	[tilespmem:$0x1CC00] =	vst v63  }
0x51: {  	_ =	swait.ge [sflag:s10], $0x4000  }
0x52: {  	[sflag:s10] =	ssyncset.done $0x0  }
0x53: {  	s9 =	rddreg [dreg:$0xc];
	[sflag:s10] =	ssyncadd.s32 $0xFFFFC000  }
0x54: {  	[tilespmem:s15], [sflag:$0x2] =	stream.indirect.gather [hbm4b:s4+s13], $0x80, s9, s13, $0xb8;
	[tilespmem:$0x1CC00] =	vst v63  }
0x55: {  	_ =	swait.ge [sflag:s16], $0x4000  }
0x56: {  	[sflag:s16] =	ssyncset.done $0x0  }
0x57: {  	s7 =	rddreg [dreg:$0xd];
	[sflag:s16] =	ssyncadd.s32 $0xFFFFC000  }
0x58: {  	[spmem:s2] =	stream.indirect.scatter.add.f32 [tilespmem:s14], [sflag:$0x3], $0x80, s7, s13, $0xb8;
	[tilespmem:$0x1CC00] =	vst v63  }
0x59: {  	_ =	swait.ge [sflag:s10], $0x4000  }
0x5a: {  	[sflag:s10] =	ssyncset.done $0x0  }
0x5b: {  	s8 =	rddreg [dreg:$0xe];
	[sflag:s10] =	ssyncadd.s32 $0xFFFFC000  }
0x5c: {  	[tilespmem:s14], [sflag:$0x1] =	stream.indirect.gather [hbm4b:s4+s13], $0x80, s8, s13, $0xb8;
	[tilespmem:$0x1CC00] =	vst v63  }
0x5d: {  	_ =	swait.ge [sflag:s17], $0x4000  }
0x5e: {  	[sflag:s17] =	ssyncset.done $0x0  }
0x5f: {  	s9 =	rddreg [dreg:$0xf];
	[sflag:s17] =	ssyncadd.s32 $0xFFFFC000  }
0x60: {  	[spmem:s2] =	stream.indirect.scatter.add.f32 [tilespmem:s15], [sflag:$0x3], $0x80, s9, s13, $0xb8;
	[tilespmem:$0x1CC00] =	vst v63  }
0x61: {  	_ =	swait.ge [sflag:s10], $0x4000  }
0x62: {  	[sflag:s10] =	ssyncset.done $0x0  }
0x63: {  	s7 =	rddreg [dreg:$0x10];
	[sflag:s10] =	ssyncadd.s32 $0xFFFFC000  }
0x64: {  	[tilespmem:s15], [sflag:$0x2] =	stream.indirect.gather [hbm4b:s4+s13], $0x80, s7, s13, $0xb8;
	[tilespmem:$0x1CC00] =	vst v63  }
0x65: {  	_ =	swait.ge [sflag:s16], $0x4000  }
0x66: {  	[sflag:s16] =	ssyncset.done $0x0  }
0x67: {  	s8 =	rddreg [dreg:$0x11];
	[sflag:s16] =	ssyncadd.s32 $0xFFFFC000  }
0x68: {  	[spmem:s2] =	stream.indirect.scatter.add.f32 [tilespmem:s14], [sflag:$0x3], $0x80, s8, s13, $0xb8;
	[tilespmem:$0x1CC00] =	vst v63  }
0x69: {  	_ =	swait.ge [sflag:s10], $0x4000  }
0x6a: {  	[sflag:s10] =	ssyncset.done $0x0  }
0x6b: {  	s9 =	rddreg [dreg:$0x12];
	[sflag:s10] =	ssyncadd.s32 $0xFFFFC000  }
0x6c: {  	[tilespmem:s14], [sflag:$0x1] =	stream.indirect.gather [hbm4b:s4+s13], $0x80, s9, s13, $0xb8;
	[tilespmem:$0x1CC00] =	vst v63  }
0x6d: {  	_ =	swait.ge [sflag:s17], $0x4000  }
0x6e: {  	[sflag:s17] =	ssyncset.done $0x0  }
0x6f: {  	[sflag:s17] =	ssyncadd.s32 $0xFFFFC000  }
0x70: {  	[spmem:s2] =	stream.indirect.scatter.add.f32 [tilespmem:s15], [sflag:$0x3], $0x80, s18, s13, $0xb8;
	[tilespmem:$0x1CC00] =	vst v63  }
0x71: {  	_ =	swait.ge [sflag:s10], $0x4000  }
0x72: {  	[sflag:s10] =	ssyncset.done $0x0  }
0x73: {  	[sflag:s10] =	ssyncadd.s32 $0xFFFFC000  }
0x74: {  	[tilespmem:s15], [sflag:$0x2] =	stream.indirect.gather [hbm4b:s4+s13], $0x80, s19, s13, $0xb8;
	[tilespmem:$0x1CC00] =	vst v63  }
0x75: {  	_ =	swait.ge [sflag:s16], $0x4000  }
0x76: {  	[sflag:s16] =	ssyncset.done $0x0  }
0x77: {  	[sflag:s16] =	ssyncadd.s32 $0xFFFFC000  }
0x78: {  	[spmem:s2] =	stream.indirect.scatter.add.f32 [tilespmem:s14], [sflag:$0x3], $0x80, s20, s13, $0xb8;
	[tilespmem:$0x1CC00] =	vst v63  }
0x79: {  	_ =	swait.ge [sflag:s10], $0x4000  }
0x7a: {  	[sflag:s10] =	ssyncset.done $0x0  }
0x7b: {  	[sflag:s10] =	ssyncadd.s32 $0xFFFFC000  }
0x7c: {  	[tilespmem:s14], [sflag:$0x1] =	stream.indirect.gather [hbm4b:s4+s13], $0x80, s21, s13, $0xb8;
	[tilespmem:$0x1CC00] =	vst v63  }
0x7d: {  	_ =	swait.ge [sflag:s17], $0x4000  }
0x7e: {  	[sflag:s17] =	ssyncset.done $0x0  }
0x7f: {  	[sflag:s17] =	ssyncadd.s32 $0xFFFFC000  }
0x80: {  	[spmem:s2] =	stream.indirect.scatter.add.f32 [tilespmem:s15], [sflag:$0x3], $0x80, s22, s13, $0xb8;
	[tilespmem:$0x1CC00] =	vst v63  }
0x81: {  	_ =	swait.ge [sflag:s10], $0x4000  }
0x82: {  	[sflag:s10] =	ssyncset.done $0x0  }
0x83: {  	[sflag:s10] =	ssyncadd.s32 $0xFFFFC000  }
0x84: {  	[tilespmem:s15], [sflag:$0x2] =	stream.indirect.gather [hbm4b:s4+s13], $0x80, s23, s13, $0xb8;
	[tilespmem:$0x1CC00] =	vst v63  }
0x85: {  	_ =	swait.ge [sflag:s16], $0x4000  }
0x86: {  	[sflag:s16] =	ssyncset.done $0x0  }
0x87: {  	[sflag:s16] =	ssyncadd.s32 $0xFFFFC000  }
0x88: {  	[spmem:s2] =	stream.indirect.scatter.add.f32 [tilespmem:s14], [sflag:$0x3], $0x80, s24, s13, $0xb8;
	[tilespmem:$0x1CC00] =	vst v63  }
0x89: {  	_ =	swait.ge [sflag:s10], $0x4000  }
0x8a: {  	[sflag:s10] =	ssyncset.done $0x0  }
0x8b: {  	[sflag:s10] =	ssyncadd.s32 $0xFFFFC000  }
0x8c: {  	[tilespmem:s14], [sflag:$0x1] =	stream.indirect.gather [hbm4b:s4+s13], $0x80, s25, s13, $0xb8;
	[tilespmem:$0x1CC00] =	vst v63  }
0x8d: {  	_ =	swait.ge [sflag:s17], $0x4000  }
0x8e: {  	[sflag:s17] =	ssyncset.done $0x0  }
0x8f: {  	[sflag:s17] =	ssyncadd.s32 $0xFFFFC000  }
0x90: {  	[spmem:s2] =	stream.indirect.scatter.add.f32 [tilespmem:s15], [sflag:$0x3], $0x80, s26, s13, $0xb8;
	[tilespmem:$0x1CC00] =	vst v63  }
0x91: {  	_ =	swait.ge [sflag:s10], $0x4000  }
0x92: {  	[sflag:s10] =	ssyncset.done $0x0  }
0x93: {  	[sflag:s10] =	ssyncadd.s32 $0xFFFFC000  }
0x94: {  	[tilespmem:s15], [sflag:$0x2] =	stream.indirect.gather [hbm4b:s4+s13], $0x80, s28, s13, $0xb8;
	[tilespmem:$0x1CC00] =	vst v63  }
0x95: {  	_ =	swait.ge [sflag:s16], $0x4000  }
0x96: {  	[sflag:s16] =	ssyncset.done $0x0  }
0x97: {  	[sflag:s16] =	ssyncadd.s32 $0xFFFFC000  }
0x98: {  	[spmem:s2] =	stream.indirect.scatter.add.f32 [tilespmem:s14], [sflag:$0x3], $0x80, s29, s13, $0xb8;
	[tilespmem:$0x1CC00] =	vst v63  }
0x99: {  	_ =	swait.ge [sflag:s10], $0x4000  }
0x9a: {  	[sflag:s10] =	ssyncset.done $0x0  }
0x9b: {  	[sflag:s10] =	ssyncadd.s32 $0xFFFFC000  }
0x9c: {  	[tilespmem:s14], [sflag:$0x1] =	stream.indirect.gather [hbm4b:s4+s13], $0x80, s30, s13, $0xb8;
	[tilespmem:$0x1CC00] =	vst v63  }
0x9d: {  	_ =	swait.ge [sflag:s17], $0x4000  }
0x9e: {  	[sflag:s17] =	ssyncset.done $0x0  }
0x9f: {  	[sflag:s17] =	ssyncadd.s32 $0xFFFFC000  }
0xa0: {  	[spmem:s2] =	stream.indirect.scatter.add.f32 [tilespmem:s15], [sflag:$0x3], $0x80, s31, s13, $0xb8;
	[tilespmem:$0x1CC00] =	vst v63  }
0xa1: {  	_ =	swait.ge [sflag:s10], $0x4000  }
0xa2: {  	[sflag:s10] =	ssyncset.done $0x0  }
0xa3: {  	[sflag:s10] =	ssyncadd.s32 $0xFFFFC000  }
0xa4: {  	[tilespmem:s15], [sflag:$0x2] =	stream.indirect.gather [hbm4b:s4+s13], $0x80, s1, s13, $0xb8;
	[tilespmem:$0x1CC00] =	vst v63  }
0xa5: {  	_ =	swait.ge [sflag:s16], $0x4000  }
0xa6: {  	[sflag:s16] =	ssyncset.done $0x0  }
0xa7: {  	[sflag:s16] =	ssyncadd.s32 $0xFFFFC000  }
0xa8: {  	[spmem:s2] =	stream.indirect.scatter.add.f32 [tilespmem:s14], [sflag:$0x3], $0x80, s0, s13, $0xb8;
	[tilespmem:$0x1CC00] =	vst v63  }
0xa9: {  	_ =	swait.ge [sflag:s10], $0x4000  }
0xaa: {  	[sflag:s10] =	ssyncset.done $0x0  }
0xab: {  	[sflag:s10] =	ssyncadd.s32 $0xFFFFC000  }
0xac: {  	[tilespmem:s14], [sflag:$0x1] =	stream.indirect.gather [hbm4b:s4+s13], $0x80, s1, s13, $0xb8;
	[tilespmem:$0x1CC00] =	vst v63  }
0xad: {  	_ =	swait.ge [sflag:s17], $0x4000  }
0xae: {  	[sflag:s17] =	ssyncset.done $0x0  }
0xaf: {  	[sflag:s17] =	ssyncadd.s32 $0xFFFFC000  }
0xb0: {  	[spmem:s2] =	stream.indirect.scatter.add.f32 [tilespmem:s15], [sflag:$0x3], $0x80, s5, s13, $0xb8;
	[tilespmem:$0x1CC00] =	vst v63  }
0xb1: {  	_ =	swait.ge [sflag:s10], $0x4000  }
0xb2: {  	[sflag:s10] =	ssyncset.done $0x0  }
0xb3: {  	[sflag:s10] =	ssyncadd.s32 $0xFFFFC000  }
0xb4: {  	s6 =	simm.s32 $0x200;
	_ =	swait.ge [sflag:s16], $0x4000  }
0xb5: {  	s8 =	simm.s32 $0x100;
	s9 =	rddreg [dreg:$0x4];
	[sflag:s16] =	ssyncset.done $0x0  }
.LBB2_2:
0xb6: {  	[sflag:s16] =	ssyncadd.s32 $0xFFFFC000;
	s9 =	sadd.s32 s8, s9  }
0xb7: {  	[tilespmem:s11], [sflag:$0x3] =	stream.linear.gather [hbm4b:s9+s3], $0x800, $0x38;
	[tilespmem:$0x1CC00] =	vst v63  }
0xb8: {  	_ =	swait.ge [sflag:s10], $0x800  }
0xb9: {  	s9 =	rddreg [dreg:$0x3];
	[sflag:s10] =	ssyncset.done $0x0  }
0xba: {  	[sflag:s10] =	ssyncadd.s32 $0xFFFFF800;
	s9 =	sadd.s32 s8, s9  }
0xbb: {  	[tilespmem:s12], [sflag:$0x3] =	stream.linear.gather [hbm4b:s9+s3], $0x800, $0x38;
	[tilespmem:$0x1CC00] =	vst v63  }
0xbc: {  	_ =	swait.ge [sflag:s10], $0x800  }
0xbd: {  	[sflag:s10] =	ssyncset.done $0x0  }
0xbe: {  	[sflag:s10] =	ssyncadd.s32 $0xFFFFF800  }
0xbf: {  	[tilespmem:s14], [sflag:$0x1] =	stream.indirect.gather [hbm4b:s4+s13], $0x80, s11, s13, $0xb8;
	[tilespmem:$0x1CC00] =	vst v63  }
0xc0: {  	s9 =	rddreg [dreg:$0x5]  }
0xc1: {  	[tilespmem:s15], [sflag:$0x2] =	stream.indirect.gather [hbm4b:s4+s13], $0x80, s9, s13, $0xb8;
	[tilespmem:$0x1CC00] =	vst v63  }
0xc2: {  	_ =	swait.ge [sflag:s16], $0x4000  }
0xc3: {  	[sflag:s16] =	ssyncset.done $0x0  }
0xc4: {  	[sflag:s16] =	ssyncadd.s32 $0xFFFFC000  }
0xc5: {  	[spmem:s2] =	stream.indirect.scatter.add.f32 [tilespmem:s14], [sflag:$0x3], $0x80, s12, s13, $0xb8;
	[tilespmem:$0x1CC00] =	vst v63  }
0xc6: {  	_ =	swait.ge [sflag:s10], $0x4000  }
0xc7: {  	[sflag:s10] =	ssyncset.done $0x0  }
0xc8: {  	s9 =	rddreg [dreg:$0x6];
	[sflag:s10] =	ssyncadd.s32 $0xFFFFC000  }
0xc9: {  	[tilespmem:s14], [sflag:$0x1] =	stream.indirect.gather [hbm4b:s4+s13], $0x80, s9, s13, $0xb8;
	[tilespmem:$0x1CC00] =	vst v63  }
0xca: {  	_ =	swait.ge [sflag:s17], $0x4000  }
0xcb: {  	[sflag:s17] =	ssyncset.done $0x0  }
0xcc: {  	s9 =	rddreg [dreg:$0x7];
	[sflag:s17] =	ssyncadd.s32 $0xFFFFC000  }
0xcd: {  	[spmem:s2] =	stream.indirect.scatter.add.f32 [tilespmem:s15], [sflag:$0x3], $0x80, s9, s13, $0xb8;
	[tilespmem:$0x1CC00] =	vst v63  }
0xce: {  	_ =	swait.ge [sflag:s10], $0x4000  }
0xcf: {  	[sflag:s10] =	ssyncset.done $0x0  }
0xd0: {  	s9 =	rddreg [dreg:$0x8];
	[sflag:s10] =	ssyncadd.s32 $0xFFFFC000  }
0xd1: {  	[tilespmem:s15], [sflag:$0x2] =	stream.indirect.gather [hbm4b:s4+s13], $0x80, s9, s13, $0xb8;
	[tilespmem:$0x1CC00] =	vst v63  }
0xd2: {  	_ =	swait.ge [sflag:s16], $0x4000  }
0xd3: {  	[sflag:s16] =	ssyncset.done $0x0  }
0xd4: {  	s9 =	rddreg [dreg:$0x9];
	[sflag:s16] =	ssyncadd.s32 $0xFFFFC000  }
0xd5: {  	[spmem:s2] =	stream.indirect.scatter.add.f32 [tilespmem:s14], [sflag:$0x3], $0x80, s9, s13, $0xb8;
	[tilespmem:$0x1CC00] =	vst v63  }
0xd6: {  	_ =	swait.ge [sflag:s10], $0x4000  }
0xd7: {  	[sflag:s10] =	ssyncset.done $0x0  }
0xd8: {  	s9 =	rddreg [dreg:$0xa];
	[sflag:s10] =	ssyncadd.s32 $0xFFFFC000  }
0xd9: {  	[tilespmem:s14], [sflag:$0x1] =	stream.indirect.gather [hbm4b:s4+s13], $0x80, s9, s13, $0xb8;
	[tilespmem:$0x1CC00] =	vst v63  }
0xda: {  	_ =	swait.ge [sflag:s17], $0x4000  }
0xdb: {  	[sflag:s17] =	ssyncset.done $0x0  }
0xdc: {  	s9 =	rddreg [dreg:$0xb];
	[sflag:s17] =	ssyncadd.s32 $0xFFFFC000  }
0xdd: {  	[spmem:s2] =	stream.indirect.scatter.add.f32 [tilespmem:s15], [sflag:$0x3], $0x80, s9, s13, $0xb8;
	[tilespmem:$0x1CC00] =	vst v63  }
0xde: {  	_ =	swait.ge [sflag:s10], $0x4000  }
0xdf: {  	[sflag:s10] =	ssyncset.done $0x0  }
0xe0: {  	s9 =	rddreg [dreg:$0xc];
	[sflag:s10] =	ssyncadd.s32 $0xFFFFC000  }
0xe1: {  	[tilespmem:s15], [sflag:$0x2] =	stream.indirect.gather [hbm4b:s4+s13], $0x80, s9, s13, $0xb8;
	[tilespmem:$0x1CC00] =	vst v63  }
0xe2: {  	_ =	swait.ge [sflag:s16], $0x4000  }
0xe3: {  	[sflag:s16] =	ssyncset.done $0x0  }
0xe4: {  	s9 =	rddreg [dreg:$0xd];
	[sflag:s16] =	ssyncadd.s32 $0xFFFFC000  }
0xe5: {  	[spmem:s2] =	stream.indirect.scatter.add.f32 [tilespmem:s14], [sflag:$0x3], $0x80, s9, s13, $0xb8;
	[tilespmem:$0x1CC00] =	vst v63  }
0xe6: {  	_ =	swait.ge [sflag:s10], $0x4000  }
0xe7: {  	[sflag:s10] =	ssyncset.done $0x0  }
0xe8: {  	s9 =	rddreg [dreg:$0xe];
	[sflag:s10] =	ssyncadd.s32 $0xFFFFC000  }
0xe9: {  	[tilespmem:s14], [sflag:$0x1] =	stream.indirect.gather [hbm4b:s4+s13], $0x80, s9, s13, $0xb8;
	[tilespmem:$0x1CC00] =	vst v63  }
0xea: {  	_ =	swait.ge [sflag:s17], $0x4000  }
0xeb: {  	[sflag:s17] =	ssyncset.done $0x0  }
0xec: {  	s9 =	rddreg [dreg:$0xf];
	[sflag:s17] =	ssyncadd.s32 $0xFFFFC000  }
0xed: {  	[spmem:s2] =	stream.indirect.scatter.add.f32 [tilespmem:s15], [sflag:$0x3], $0x80, s9, s13, $0xb8;
	[tilespmem:$0x1CC00] =	vst v63  }
0xee: {  	_ =	swait.ge [sflag:s10], $0x4000  }
0xef: {  	[sflag:s10] =	ssyncset.done $0x0  }
0xf0: {  	s9 =	rddreg [dreg:$0x10];
	[sflag:s10] =	ssyncadd.s32 $0xFFFFC000  }
0xf1: {  	[tilespmem:s15], [sflag:$0x2] =	stream.indirect.gather [hbm4b:s4+s13], $0x80, s9, s13, $0xb8;
	[tilespmem:$0x1CC00] =	vst v63  }
0xf2: {  	_ =	swait.ge [sflag:s16], $0x4000  }
0xf3: {  	[sflag:s16] =	ssyncset.done $0x0  }
0xf4: {  	s9 =	rddreg [dreg:$0x11];
	[sflag:s16] =	ssyncadd.s32 $0xFFFFC000  }
0xf5: {  	[spmem:s2] =	stream.indirect.scatter.add.f32 [tilespmem:s14], [sflag:$0x3], $0x80, s9, s13, $0xb8;
	[tilespmem:$0x1CC00] =	vst v63  }
0xf6: {  	_ =	swait.ge [sflag:s10], $0x4000  }
0xf7: {  	[sflag:s10] =	ssyncset.done $0x0  }
0xf8: {  	s9 =	rddreg [dreg:$0x12];
	[sflag:s10] =	ssyncadd.s32 $0xFFFFC000  }
0xf9: {  	[tilespmem:s14], [sflag:$0x1] =	stream.indirect.gather [hbm4b:s4+s13], $0x80, s9, s13, $0xb8;
	[tilespmem:$0x1CC00] =	vst v63  }
0xfa: {  	_ =	swait.ge [sflag:s17], $0x4000  }
0xfb: {  	[sflag:s17] =	ssyncset.done $0x0  }
0xfc: {  	[sflag:s17] =	ssyncadd.s32 $0xFFFFC000  }
0xfd: {  	[spmem:s2] =	stream.indirect.scatter.add.f32 [tilespmem:s15], [sflag:$0x3], $0x80, s18, s13, $0xb8;
	[tilespmem:$0x1CC00] =	vst v63  }
0xfe: {  	_ =	swait.ge [sflag:s10], $0x4000  }
0xff: {  	[sflag:s10] =	ssyncset.done $0x0  }
0x100: {  	[sflag:s10] =	ssyncadd.s32 $0xFFFFC000  }
0x101: {  	[tilespmem:s15], [sflag:$0x2] =	stream.indirect.gather [hbm4b:s4+s13], $0x80, s19, s13, $0xb8;
	[tilespmem:$0x1CC00] =	vst v63  }
0x102: {  	_ =	swait.ge [sflag:s16], $0x4000  }
0x103: {  	[sflag:s16] =	ssyncset.done $0x0  }
0x104: {  	[sflag:s16] =	ssyncadd.s32 $0xFFFFC000  }
0x105: {  	[spmem:s2] =	stream.indirect.scatter.add.f32 [tilespmem:s14], [sflag:$0x3], $0x80, s20, s13, $0xb8;
	[tilespmem:$0x1CC00] =	vst v63  }
0x106: {  	_ =	swait.ge [sflag:s10], $0x4000  }
0x107: {  	[sflag:s10] =	ssyncset.done $0x0  }
0x108: {  	[sflag:s10] =	ssyncadd.s32 $0xFFFFC000  }
0x109: {  	[tilespmem:s14], [sflag:$0x1] =	stream.indirect.gather [hbm4b:s4+s13], $0x80, s21, s13, $0xb8;
	[tilespmem:$0x1CC00] =	vst v63  }
0x10a: {  	_ =	swait.ge [sflag:s17], $0x4000  }
0x10b: {  	[sflag:s17] =	ssyncset.done $0x0  }
0x10c: {  	[sflag:s17] =	ssyncadd.s32 $0xFFFFC000  }
0x10d: {  	[spmem:s2] =	stream.indirect.scatter.add.f32 [tilespmem:s15], [sflag:$0x3], $0x80, s22, s13, $0xb8;
	[tilespmem:$0x1CC00] =	vst v63  }
0x10e: {  	_ =	swait.ge [sflag:s10], $0x4000  }
0x10f: {  	[sflag:s10] =	ssyncset.done $0x0  }
0x110: {  	[sflag:s10] =	ssyncadd.s32 $0xFFFFC000  }
0x111: {  	[tilespmem:s15], [sflag:$0x2] =	stream.indirect.gather [hbm4b:s4+s13], $0x80, s23, s13, $0xb8;
	[tilespmem:$0x1CC00] =	vst v63  }
0x112: {  	_ =	swait.ge [sflag:s16], $0x4000  }
0x113: {  	[sflag:s16] =	ssyncset.done $0x0  }
0x114: {  	[sflag:s16] =	ssyncadd.s32 $0xFFFFC000  }
0x115: {  	[spmem:s2] =	stream.indirect.scatter.add.f32 [tilespmem:s14], [sflag:$0x3], $0x80, s24, s13, $0xb8;
	[tilespmem:$0x1CC00] =	vst v63  }
0x116: {  	_ =	swait.ge [sflag:s10], $0x4000  }
0x117: {  	[sflag:s10] =	ssyncset.done $0x0  }
0x118: {  	[sflag:s10] =	ssyncadd.s32 $0xFFFFC000  }
0x119: {  	[tilespmem:s14], [sflag:$0x1] =	stream.indirect.gather [hbm4b:s4+s13], $0x80, s25, s13, $0xb8;
	[tilespmem:$0x1CC00] =	vst v63  }
0x11a: {  	_ =	swait.ge [sflag:s17], $0x4000  }
0x11b: {  	[sflag:s17] =	ssyncset.done $0x0  }
0x11c: {  	[sflag:s17] =	ssyncadd.s32 $0xFFFFC000  }
0x11d: {  	[spmem:s2] =	stream.indirect.scatter.add.f32 [tilespmem:s15], [sflag:$0x3], $0x80, s26, s13, $0xb8;
	[tilespmem:$0x1CC00] =	vst v63  }
0x11e: {  	_ =	swait.ge [sflag:s10], $0x4000  }
0x11f: {  	[sflag:s10] =	ssyncset.done $0x0  }
0x120: {  	[sflag:s10] =	ssyncadd.s32 $0xFFFFC000  }
0x121: {  	[tilespmem:s15], [sflag:$0x2] =	stream.indirect.gather [hbm4b:s4+s13], $0x80, s28, s13, $0xb8;
	[tilespmem:$0x1CC00] =	vst v63  }
0x122: {  	_ =	swait.ge [sflag:s16], $0x4000  }
0x123: {  	[sflag:s16] =	ssyncset.done $0x0  }
0x124: {  	[sflag:s16] =	ssyncadd.s32 $0xFFFFC000  }
0x125: {  	[spmem:s2] =	stream.indirect.scatter.add.f32 [tilespmem:s14], [sflag:$0x3], $0x80, s29, s13, $0xb8;
	[tilespmem:$0x1CC00] =	vst v63  }
0x126: {  	_ =	swait.ge [sflag:s10], $0x4000  }
0x127: {  	[sflag:s10] =	ssyncset.done $0x0  }
0x128: {  	[sflag:s10] =	ssyncadd.s32 $0xFFFFC000  }
0x129: {  	[tilespmem:s14], [sflag:$0x1] =	stream.indirect.gather [hbm4b:s4+s13], $0x80, s30, s13, $0xb8;
	[tilespmem:$0x1CC00] =	vst v63  }
0x12a: {  	_ =	swait.ge [sflag:s17], $0x4000  }
0x12b: {  	[sflag:s17] =	ssyncset.done $0x0  }
0x12c: {  	[sflag:s17] =	ssyncadd.s32 $0xFFFFC000  }
0x12d: {  	[spmem:s2] =	stream.indirect.scatter.add.f32 [tilespmem:s15], [sflag:$0x3], $0x80, s31, s13, $0xb8;
	[tilespmem:$0x1CC00] =	vst v63  }
0x12e: {  	_ =	swait.ge [sflag:s10], $0x4000  }
0x12f: {  	[sflag:s10] =	ssyncset.done $0x0  }
0x130: {  	[sflag:s10] =	ssyncadd.s32 $0xFFFFC000  }
0x131: {  	[tilespmem:s15], [sflag:$0x2] =	stream.indirect.gather [hbm4b:s4+s13], $0x80, s1, s13, $0xb8;
	[tilespmem:$0x1CC00] =	vst v63  }
0x132: {  	_ =	swait.ge [sflag:s16], $0x4000  }
0x133: {  	[sflag:s16] =	ssyncset.done $0x0  }
0x134: {  	[sflag:s16] =	ssyncadd.s32 $0xFFFFC000  }
0x135: {  	[spmem:s2] =	stream.indirect.scatter.add.f32 [tilespmem:s14], [sflag:$0x3], $0x80, s0, s13, $0xb8;
	[tilespmem:$0x1CC00] =	vst v63  }
0x136: {  	_ =	swait.ge [sflag:s10], $0x4000  }
0x137: {  	[sflag:s10] =	ssyncset.done $0x0  }
0x138: {  	[sflag:s10] =	ssyncadd.s32 $0xFFFFC000  }
0x139: {  	[tilespmem:s14], [sflag:$0x1] =	stream.indirect.gather [hbm4b:s4+s13], $0x80, s1, s13, $0xb8;
	[tilespmem:$0x1CC00] =	vst v63  }
0x13a: {  	_ =	swait.ge [sflag:s17], $0x4000  }
0x13b: {  	[sflag:s17] =	ssyncset.done $0x0  }
0x13c: {  	p0 =	sne.s32 s6, $0x400;
	[sflag:s17] =	ssyncadd.s32 $0xFFFFC000  }
0x13d: {  	[spmem:s2] =	stream.indirect.scatter.add.f32 [tilespmem:s15], [sflag:$0x3], $0x80, s5, s13, $0xb8;
	[tilespmem:$0x1CC00] =	vst v63  }
.Ltmp0:
0x13e: {  	_ =	swait.ge [sflag:s10], $0x4000;
	(pc) =	sbr.rel @p0 .LBB2_2-.Ltmp0, $4  }
0x13f: {  	[sflag:s10] =	ssyncset.done $0x0  }
0x140: {  	[sflag:s10] =	ssyncadd.s32 $0xFFFFC000  }
0x141: {  	s7 =	smov.u32 s6;
	s6 =	sadd.s32 $0x100, s6;
	_ =	swait.ge [sflag:s16], $0x4000  }
0x142: {  	s8 =	smov.u32 s7;
	s9 =	rddreg [dreg:$0x4];
	[sflag:s16] =	ssyncset.done $0x0  }
0x143: {  	[sflag:s16] =	ssyncadd.s32 $0xFFFFC000;
	s6 =	sadd.s32 s8, s9  }
0x144: {  	[tilespmem:s11], [sflag:$0x3] =	stream.linear.gather [hbm4b:s6+s3], $0x800, $0x38;
	[tilespmem:$0x1CC00] =	vst v63  }
0x145: {  	_ =	swait.ge [sflag:s10], $0x800  }
0x146: {  	s9 =	rddreg [dreg:$0x3];
	[sflag:s10] =	ssyncset.done $0x0  }
0x147: {  	s6 =	sadd.s32 s8, s9;
	[sflag:s10] =	ssyncadd.s32 $0xFFFFF800  }
0x148: {  	[tilespmem:s12], [sflag:$0x3] =	stream.linear.gather [hbm4b:s6+s3], $0x800, $0x38;
	[tilespmem:$0x1CC00] =	vst v63  }
0x149: {  	_ =	swait.ge [sflag:s10], $0x800  }
0x14a: {  	[sflag:s10] =	ssyncset.done $0x0  }
0x14b: {  	[sflag:s10] =	ssyncadd.s32 $0xFFFFF800  }
0x14c: {  	[tilespmem:s14], [sflag:$0x1] =	stream.indirect.gather [hbm4b:s4+s13], $0x80, s11, s13, $0xb8;
	[tilespmem:$0x1CC00] =	vst v63  }
0x14d: {  	s7 =	rddreg [dreg:$0x5]  }
0x14e: {  	[tilespmem:s15], [sflag:$0x2] =	stream.indirect.gather [hbm4b:s4+s13], $0x80, s7, s13, $0xb8;
	[tilespmem:$0x1CC00] =	vst v63  }
0x14f: {  	_ =	swait.ge [sflag:s16], $0x4000  }
0x150: {  	[sflag:s16] =	ssyncset.done $0x0  }
0x151: {  	[sflag:s16] =	ssyncadd.s32 $0xFFFFC000  }
0x152: {  	[spmem:s2] =	stream.indirect.scatter.add.f32 [tilespmem:s14], [sflag:$0x3], $0x80, s12, s13, $0xb8;
	[tilespmem:$0x1CC00] =	vst v63  }
0x153: {  	_ =	swait.ge [sflag:s10], $0x4000  }
0x154: {  	[sflag:s10] =	ssyncset.done $0x0  }
0x155: {  	s8 =	rddreg [dreg:$0x6];
	[sflag:s10] =	ssyncadd.s32 $0xFFFFC000  }
0x156: {  	[tilespmem:s14], [sflag:$0x1] =	stream.indirect.gather [hbm4b:s4+s13], $0x80, s8, s13, $0xb8;
	[tilespmem:$0x1CC00] =	vst v63  }
0x157: {  	_ =	swait.ge [sflag:s17], $0x4000  }
0x158: {  	[sflag:s17] =	ssyncset.done $0x0  }
0x159: {  	s9 =	rddreg [dreg:$0x7];
	[sflag:s17] =	ssyncadd.s32 $0xFFFFC000  }
0x15a: {  	[spmem:s2] =	stream.indirect.scatter.add.f32 [tilespmem:s15], [sflag:$0x3], $0x80, s9, s13, $0xb8;
	[tilespmem:$0x1CC00] =	vst v63  }
0x15b: {  	_ =	swait.ge [sflag:s10], $0x4000  }
0x15c: {  	[sflag:s10] =	ssyncset.done $0x0  }
0x15d: {  	s7 =	rddreg [dreg:$0x8];
	[sflag:s10] =	ssyncadd.s32 $0xFFFFC000  }
0x15e: {  	[tilespmem:s15], [sflag:$0x2] =	stream.indirect.gather [hbm4b:s4+s13], $0x80, s7, s13, $0xb8;
	[tilespmem:$0x1CC00] =	vst v63  }
0x15f: {  	_ =	swait.ge [sflag:s16], $0x4000  }
0x160: {  	[sflag:s16] =	ssyncset.done $0x0  }
0x161: {  	s8 =	rddreg [dreg:$0x9];
	[sflag:s16] =	ssyncadd.s32 $0xFFFFC000  }
0x162: {  	[spmem:s2] =	stream.indirect.scatter.add.f32 [tilespmem:s14], [sflag:$0x3], $0x80, s8, s13, $0xb8;
	[tilespmem:$0x1CC00] =	vst v63  }
0x163: {  	_ =	swait.ge [sflag:s10], $0x4000  }
0x164: {  	[sflag:s10] =	ssyncset.done $0x0  }
0x165: {  	s9 =	rddreg [dreg:$0xa];
	[sflag:s10] =	ssyncadd.s32 $0xFFFFC000  }
0x166: {  	[tilespmem:s14], [sflag:$0x1] =	stream.indirect.gather [hbm4b:s4+s13], $0x80, s9, s13, $0xb8;
	[tilespmem:$0x1CC00] =	vst v63  }
0x167: {  	_ =	swait.ge [sflag:s17], $0x4000  }
0x168: {  	[sflag:s17] =	ssyncset.done $0x0  }
0x169: {  	s7 =	rddreg [dreg:$0xb];
	[sflag:s17] =	ssyncadd.s32 $0xFFFFC000  }
0x16a: {  	[spmem:s2] =	stream.indirect.scatter.add.f32 [tilespmem:s15], [sflag:$0x3], $0x80, s7, s13, $0xb8;
	[tilespmem:$0x1CC00] =	vst v63  }
0x16b: {  	_ =	swait.ge [sflag:s10], $0x4000  }
0x16c: {  	[sflag:s10] =	ssyncset.done $0x0  }
0x16d: {  	s8 =	rddreg [dreg:$0xc];
	[sflag:s10] =	ssyncadd.s32 $0xFFFFC000  }
0x16e: {  	[tilespmem:s15], [sflag:$0x2] =	stream.indirect.gather [hbm4b:s4+s13], $0x80, s8, s13, $0xb8;
	[tilespmem:$0x1CC00] =	vst v63  }
0x16f: {  	_ =	swait.ge [sflag:s16], $0x4000  }
0x170: {  	[sflag:s16] =	ssyncset.done $0x0  }
0x171: {  	s9 =	rddreg [dreg:$0xd];
	[sflag:s16] =	ssyncadd.s32 $0xFFFFC000  }
0x172: {  	[spmem:s2] =	stream.indirect.scatter.add.f32 [tilespmem:s14], [sflag:$0x3], $0x80, s9, s13, $0xb8;
	[tilespmem:$0x1CC00] =	vst v63  }
0x173: {  	_ =	swait.ge [sflag:s10], $0x4000  }
0x174: {  	[sflag:s10] =	ssyncset.done $0x0  }
0x175: {  	s7 =	rddreg [dreg:$0xe];
	[sflag:s10] =	ssyncadd.s32 $0xFFFFC000  }
0x176: {  	[tilespmem:s14], [sflag:$0x1] =	stream.indirect.gather [hbm4b:s4+s13], $0x80, s7, s13, $0xb8;
	[tilespmem:$0x1CC00] =	vst v63  }
0x177: {  	_ =	swait.ge [sflag:s17], $0x4000  }
0x178: {  	[sflag:s17] =	ssyncset.done $0x0  }
0x179: {  	s8 =	rddreg [dreg:$0xf];
	[sflag:s17] =	ssyncadd.s32 $0xFFFFC000  }
0x17a: {  	[spmem:s2] =	stream.indirect.scatter.add.f32 [tilespmem:s15], [sflag:$0x3], $0x80, s8, s13, $0xb8;
	[tilespmem:$0x1CC00] =	vst v63  }
0x17b: {  	_ =	swait.ge [sflag:s10], $0x4000  }
0x17c: {  	[sflag:s10] =	ssyncset.done $0x0  }
0x17d: {  	s9 =	rddreg [dreg:$0x10];
	[sflag:s10] =	ssyncadd.s32 $0xFFFFC000  }
0x17e: {  	[tilespmem:s15], [sflag:$0x2] =	stream.indirect.gather [hbm4b:s4+s13], $0x80, s9, s13, $0xb8;
	[tilespmem:$0x1CC00] =	vst v63  }
0x17f: {  	_ =	swait.ge [sflag:s16], $0x4000  }
0x180: {  	[sflag:s16] =	ssyncset.done $0x0  }
0x181: {  	s7 =	rddreg [dreg:$0x11];
	[sflag:s16] =	ssyncadd.s32 $0xFFFFC000  }
0x182: {  	[spmem:s2] =	stream.indirect.scatter.add.f32 [tilespmem:s14], [sflag:$0x3], $0x80, s7, s13, $0xb8;
	[tilespmem:$0x1CC00] =	vst v63  }
0x183: {  	_ =	swait.ge [sflag:s10], $0x4000  }
0x184: {  	[sflag:s10] =	ssyncset.done $0x0  }
0x185: {  	s8 =	rddreg [dreg:$0x12];
	[sflag:s10] =	ssyncadd.s32 $0xFFFFC000  }
0x186: {  	[tilespmem:s14], [sflag:$0x1] =	stream.indirect.gather [hbm4b:s4+s13], $0x80, s8, s13, $0xb8;
	[tilespmem:$0x1CC00] =	vst v63  }
0x187: {  	_ =	swait.ge [sflag:s17], $0x4000  }
0x188: {  	[sflag:s17] =	ssyncset.done $0x0  }
0x189: {  	[sflag:s17] =	ssyncadd.s32 $0xFFFFC000  }
0x18a: {  	[spmem:s2] =	stream.indirect.scatter.add.f32 [tilespmem:s15], [sflag:$0x3], $0x80, s18, s13, $0xb8;
	[tilespmem:$0x1CC00] =	vst v63  }
0x18b: {  	_ =	swait.ge [sflag:s10], $0x4000  }
0x18c: {  	[sflag:s10] =	ssyncset.done $0x0  }
0x18d: {  	[sflag:s10] =	ssyncadd.s32 $0xFFFFC000  }
0x18e: {  	[tilespmem:s15], [sflag:$0x2] =	stream.indirect.gather [hbm4b:s4+s13], $0x80, s19, s13, $0xb8;
	[tilespmem:$0x1CC00] =	vst v63  }
0x18f: {  	_ =	swait.ge [sflag:s16], $0x4000  }
0x190: {  	[sflag:s16] =	ssyncset.done $0x0  }
0x191: {  	[sflag:s16] =	ssyncadd.s32 $0xFFFFC000  }
0x192: {  	[spmem:s2] =	stream.indirect.scatter.add.f32 [tilespmem:s14], [sflag:$0x3], $0x80, s20, s13, $0xb8;
	[tilespmem:$0x1CC00] =	vst v63  }
0x193: {  	_ =	swait.ge [sflag:s10], $0x4000  }
0x194: {  	[sflag:s10] =	ssyncset.done $0x0  }
0x195: {  	[sflag:s10] =	ssyncadd.s32 $0xFFFFC000  }
0x196: {  	[tilespmem:s14], [sflag:$0x1] =	stream.indirect.gather [hbm4b:s4+s13], $0x80, s21, s13, $0xb8;
	[tilespmem:$0x1CC00] =	vst v63  }
0x197: {  	_ =	swait.ge [sflag:s17], $0x4000  }
0x198: {  	[sflag:s17] =	ssyncset.done $0x0  }
0x199: {  	[sflag:s17] =	ssyncadd.s32 $0xFFFFC000  }
0x19a: {  	[spmem:s2] =	stream.indirect.scatter.add.f32 [tilespmem:s15], [sflag:$0x3], $0x80, s22, s13, $0xb8;
	[tilespmem:$0x1CC00] =	vst v63  }
0x19b: {  	_ =	swait.ge [sflag:s10], $0x4000  }
0x19c: {  	[sflag:s10] =	ssyncset.done $0x0  }
0x19d: {  	[sflag:s10] =	ssyncadd.s32 $0xFFFFC000  }
0x19e: {  	[tilespmem:s15], [sflag:$0x2] =	stream.indirect.gather [hbm4b:s4+s13], $0x80, s23, s13, $0xb8;
	[tilespmem:$0x1CC00] =	vst v63  }
0x19f: {  	_ =	swait.ge [sflag:s16], $0x4000  }
0x1a0: {  	[sflag:s16] =	ssyncset.done $0x0  }
0x1a1: {  	[sflag:s16] =	ssyncadd.s32 $0xFFFFC000  }
0x1a2: {  	[spmem:s2] =	stream.indirect.scatter.add.f32 [tilespmem:s14], [sflag:$0x3], $0x80, s24, s13, $0xb8;
	[tilespmem:$0x1CC00] =	vst v63  }
0x1a3: {  	_ =	swait.ge [sflag:s10], $0x4000  }
0x1a4: {  	[sflag:s10] =	ssyncset.done $0x0  }
0x1a5: {  	[sflag:s10] =	ssyncadd.s32 $0xFFFFC000  }
0x1a6: {  	[tilespmem:s14], [sflag:$0x1] =	stream.indirect.gather [hbm4b:s4+s13], $0x80, s25, s13, $0xb8;
	[tilespmem:$0x1CC00] =	vst v63  }
0x1a7: {  	_ =	swait.ge [sflag:s17], $0x4000  }
0x1a8: {  	[sflag:s17] =	ssyncset.done $0x0  }
0x1a9: {  	[sflag:s17] =	ssyncadd.s32 $0xFFFFC000  }
0x1aa: {  	[spmem:s2] =	stream.indirect.scatter.add.f32 [tilespmem:s15], [sflag:$0x3], $0x80, s26, s13, $0xb8;
	[tilespmem:$0x1CC00] =	vst v63  }
0x1ab: {  	_ =	swait.ge [sflag:s10], $0x4000  }
0x1ac: {  	[sflag:s10] =	ssyncset.done $0x0  }
0x1ad: {  	[sflag:s10] =	ssyncadd.s32 $0xFFFFC000  }
0x1ae: {  	[tilespmem:s15], [sflag:$0x2] =	stream.indirect.gather [hbm4b:s4+s13], $0x80, s28, s13, $0xb8;
	[tilespmem:$0x1CC00] =	vst v63  }
0x1af: {  	_ =	swait.ge [sflag:s16], $0x4000  }
0x1b0: {  	[sflag:s16] =	ssyncset.done $0x0  }
0x1b1: {  	[sflag:s16] =	ssyncadd.s32 $0xFFFFC000  }
0x1b2: {  	[spmem:s2] =	stream.indirect.scatter.add.f32 [tilespmem:s14], [sflag:$0x3], $0x80, s29, s13, $0xb8;
	[tilespmem:$0x1CC00] =	vst v63  }
0x1b3: {  	_ =	swait.ge [sflag:s10], $0x4000  }
0x1b4: {  	[sflag:s10] =	ssyncset.done $0x0  }
0x1b5: {  	[sflag:s10] =	ssyncadd.s32 $0xFFFFC000  }
0x1b6: {  	[tilespmem:s14], [sflag:$0x1] =	stream.indirect.gather [hbm4b:s4+s13], $0x80, s30, s13, $0xb8;
	[tilespmem:$0x1CC00] =	vst v63  }
0x1b7: {  	_ =	swait.ge [sflag:s17], $0x4000  }
0x1b8: {  	[sflag:s17] =	ssyncset.done $0x0  }
0x1b9: {  	[sflag:s17] =	ssyncadd.s32 $0xFFFFC000  }
0x1ba: {  	[spmem:s2] =	stream.indirect.scatter.add.f32 [tilespmem:s15], [sflag:$0x3], $0x80, s31, s13, $0xb8;
	[tilespmem:$0x1CC00] =	vst v63  }
0x1bb: {  	_ =	swait.ge [sflag:s10], $0x4000  }
0x1bc: {  	[sflag:s10] =	ssyncset.done $0x0  }
0x1bd: {  	[sflag:s10] =	ssyncadd.s32 $0xFFFFC000  }
0x1be: {  	[tilespmem:s15], [sflag:$0x2] =	stream.indirect.gather [hbm4b:s4+s13], $0x80, s1, s13, $0xb8;
	[tilespmem:$0x1CC00] =	vst v63  }
0x1bf: {  	_ =	swait.ge [sflag:s16], $0x4000  }
0x1c0: {  	[sflag:s16] =	ssyncset.done $0x0  }
0x1c1: {  	[sflag:s16] =	ssyncadd.s32 $0xFFFFC000  }
0x1c2: {  	[spmem:s2] =	stream.indirect.scatter.add.f32 [tilespmem:s14], [sflag:$0x3], $0x80, s0, s13, $0xb8;
	[tilespmem:$0x1CC00] =	vst v63  }
0x1c3: {  	_ =	swait.ge [sflag:s10], $0x4000  }
0x1c4: {  	[sflag:s10] =	ssyncset.done $0x0  }
0x1c5: {  	[sflag:s10] =	ssyncadd.s32 $0xFFFFC000  }
0x1c6: {  	[tilespmem:s14], [sflag:$0x1] =	stream.indirect.gather [hbm4b:s4+s13], $0x80, s1, s13, $0xb8;
	[tilespmem:$0x1CC00] =	vst v63  }
0x1c7: {  	_ =	swait.ge [sflag:s17], $0x4000  }
0x1c8: {  	[sflag:s17] =	ssyncset.done $0x0  }
0x1c9: {  	[sflag:s17] =	ssyncadd.s32 $0xFFFFC000  }
0x1ca: {  	[spmem:s2] =	stream.indirect.scatter.add.f32 [tilespmem:s15], [sflag:$0x3], $0x80, s5, s13, $0xb8;
	[tilespmem:$0x1CC00] =	vst v63  }
0x1cb: {  	_ =	swait.ge [sflag:s10], $0x4000  }
0x1cc: {  	[sflag:s10] =	ssyncset.done $0x0  }
0x1cd: {  	[sflag:s10] =	ssyncadd.s32 $0xFFFFC000  }
0x1ce: {  	_ =	swait.ge [sflag:s16], $0x4000  }
0x1cf: {  	[sflag:s16] =	ssyncset.done $0x0  }
0x1d0: {  	[sflag:s16] =	ssyncadd.s32 $0xFFFFC000  }
0x1d1: {  	[bflag:$0x0] =	sbarrier.arrive $0xFFFF  }
0x1d2: {  	s7 =	rddreg [dreg:$0x14]  }
0x1d3: {  	s9 =	rddreg [dreg:$0x15]  }
0x1d4: {  	s8 =	rddreg [dreg:$0x17]  }
0x1d5: {  	[hbm:s9], [sflag:s7] =	dma.local [spmem:s8], $0x2780  }
0x1d6: {  	_ =	swait.ge [sflag:s10], $0x2780  }
0x1d7: {  	s6 =	rddreg [dreg:$0x18]  }
0x1d8: {  	s9 =	sadd.s32 $0x1, s6;
	s6 =	rddreg [dreg:$0x16]  }
0x1d9: {  	p0 =	sne.s32 s9, s6  }
.Ltmp1:
0x1da: {  	_ = 	snop;
	(pc) =	sbr.rel @p0 .LBB2_1-.Ltmp1, $3  }
0x1db: {  	_ =	sdelay $0x1  }
0x1dc: {  	[sflag:s10] =	ssyncset.done $0x0  }
0x1dd: {  	[sflag:s10] =	ssyncadd.s32 $0xFFFFD880  }
0x1de: {  	_ =	sfence.sel $0x180000  }
0x1df: {  	[bflag:$0x0] =	sbarrier.arrive $0xFFFF  }
0x1e0: {  	_ =	strace $0x9000004D  }
0x1e1: {  	s0 =	stileid.u32;
	[bflag:$0x2] =	sbarrier.arrive $0xFFFF  }
0x1e2: {  	p0 =	sne.s32 s0, $0x0;
	s0 =	rddreg [dreg:$0x2]  }
0x1e3: {  	s0 =	sadd.s32 @!p0 $0x100000, s0  }
0x1e4: {  	[sflag:s0] =	ssyncadd.tile.s32 @!p0 $0x1;
	_ =	shalt  }
.Lfunc_end2:
_tile_overlayer_lowered:
.L_overlay_start_2:
0x1e5: {  	(tag) =	ssettag $0x2  }
0x1e6: {  	s0 =	rddreg [dreg:$0x0];
	s2 =	stileid.u32  }
0x1e7: {  	s1 =	rddreg [dreg:$0x1];
	p0 =	sne.s32 s2, $0x0  }
0x1e8: {  	s3 =	rddreg [dreg:$0x2];
	[bflag:$0x3] =	sbarrier.arrive $0xFFFF;
	s2 =	simm.s32 @!p0 $0x1C03  }
0x1e9: {  	[timem:s3], [sflag:s2] =	dma.local @!p0 [hbm:s0], s1  }
0x1ea: {  	s0 =	simm.s32 @!p0 $0x3  }
0x1eb: {  	_ =	swait.ge @!p0 [sflag:s0], s1  }
0x1ec: {  	s1 =	ssub.s32 @!p0 $0x0, s1;
	[sflag:s0] =	ssyncset.done @!p0 $0x0  }
0x1ed: {  	[sflag:s0] =	ssyncadd.s32 @!p0 s1  }
0x1ee: {  	[bflag:$0x3] =	sbarrier.arrive $0xFFFF  }
0x1ef: {  	_ =	shalt  }

// kernel: kernel.8.cloned.1.call-start
scs
__scs_entry_jumppad:
0x0: {  	(pc) =	sbr.rel $0x88, $3  }
0x1: {  	(tag) =	ssettag $0x0;
	lr =	simm.s32 $0x1  }
0x2: {  	[smem:$0x3F8B] =	sst lr;
	_ =	strace $0xD0000000  }
0x3: {  	_ = 	snop  }
0x4: {  	_ = 	snop  }
0x5: {  	_ = 	snop  }
0x6: {  	_ = 	snop  }
0x7: {  	_ = 	snop  }
__scs_overlays_trampoline_lowered:
0x8: {  	[smem:$0x3F9A] =	sst s0  }
0x9: {  	[smem:$0x3F9B] =	sst s1  }
0xa: {  	[smem:$0x3F9C] =	sst s2  }
0xb: {  	[smem:$0x3F9D] =	sst s3  }
0xc: {  	[smem:$0x3F9E] =	sst s4  }
0xd: {  	[smem:$0x3F9F] =	sst s5  }
0xe: {  	[smem:$0x3FA0] =	sst s6  }
0xf: {  	[smem:$0x3FA1] =	sst s7  }
0x10: {  	[smem:$0x3FA2] =	sst s8  }
0x11: {  	[smem:$0x3FA3] =	sst s9;
	s0 =	simm.s32 @!p0 $0x0  }
0x12: {  	s1 =	sld [smem:$0x3F89];
	s0 =	simm.s32 @p0 $0x1  }
0x13: {  	[smem:$0x3FA4] =	sst s0;
	s0 =	simm.s32 @!p1 $0x0  }
0x14: {  	s2 =	sld [smem:$0x3F88];
	s0 =	simm.s32 @p1 $0x1  }
0x15: {  	[smem:$0x3FA5] =	sst s0;
	s0 =	simm.s32 @!p2 $0x0  }
0x16: {  	s3 =	sld [smem:$0x3FDB];
	s0 =	simm.s32 @p2 $0x1  }
0x17: {  	s4 =	simm.s32 $0x1BF5;
	[smem:$0x3FA7] =	sst s0  }
0x18: {  	s0 =	sld [smem:$0x3F8A];
	_ =	swait.ge [sflag:s4], $0x0  }
0x19: {  	s7 =	sld [smem:$0x3F8B]  }
0x1a: {  	s8 =	sadd.s32 $0xFFFFE003, lr  }
0x1b: {  	s9 =	sadd.s32 $0xFFFFFEF7, lr;
	s5 =	simm.s32 $0xFFFFFFFF;
	p2 =	slt.u32 s8, $0xFFFFF086  }
0x1c: {  	p1 =	slt.u32 s9, $0xF7A;
	s5 =	simm.s32 @!p2 $0x0  }
0x1d: {  	s5 =	simm.s32 @p1 $0x1;
	p0 =	seq.s32 s7, s2  }
0x1e: {  	s7 =	smul.u32 @!p0 $0xF7A, s2;
	p2 =	seq.s32 @!p0 s5, $0x0  }
0x1f: {  	s9 =	smul.u32 $0xF7A, s1;
	s8 =	simm.s32 @!p0 $0x1BF5;
	p2 =	por !p2, p0  }
0x20: {  	[sflag:s8] =	ssyncset.s32 @!p0 $0xFFFFF086;
	s6 =	sadd.s32 @!p0 s3, s7;
	s7 =	simm.s32 @!p0 $0x108  }
0x21: {  	s3 =	sadd.s32 s3, s9;
	s6 =	sadd.s32 @!p0 $0x88, s6;
	s7 =	simm.s32 @p2 $0x1082  }
0x22: {  	[simem:s7], [sflag:s8] =	dma.local @!p0 [hbm:s6], $0xF7A  }
0x23: {  	s9 =	sor.u32 $0xD0000000, s2;
	s6 =	simm.s32 $0x108;
	_ =	swait.ge @!p0 [sflag:s8], $0x0  }
0x24: {  	s3 =	sadd.s32 $0x88, s3;
	s6 =	simm.s32 @!p1 $0x1082;
	[sflag:s4] =	ssyncset.s32 $0xFFFFF086  }
0x25: {  	[simem:s6], [sflag:s4] =	dma.local [hbm:s3], $0xF7A  }
0x26: {  	[smem:$0x3F8B] =	sst s1;
	(tag) =	ssettag s2;
	_ =	strace s9  }
0x27: {  	s1 =	sld [smem:$0x3F9B]  }
0x28: {  	s2 =	sld [smem:$0x3F9C]  }
0x29: {  	s4 =	sld [smem:$0x3F9E]  }
0x2a: {  	p0 =	seq.s32 s5, $0x0;
	s5 =	sld [smem:$0x3F9F]  }
0x2b: {  	s6 =	sld [smem:$0x3FA0]  }
0x2c: {  	s7 =	sld [smem:$0x3FA1]  }
0x2d: {  	s3 =	simm.s32 $0x108;
	s8 =	sld [smem:$0x3FA2]  }
0x2e: {  	s3 =	simm.s32 @!p0 $0x1082;
	s9 =	sld [smem:$0x3FA3]  }
0x2f: {  	lr =	sadd.s32 s0, s3;
	s0 =	sld [smem:$0x3F9A]  }
0x30: {  	s3 =	sld [smem:$0x3F9D]  }
0x31: {  	[smem:$0x3FA6] =	sst s10  }
0x32: {  	s10 =	sld [smem:$0x3FA4];
	_ =	sdelay $0x3  }
0x33: {  	p0 =	seq.s32 s10, $0x1;
	s10 =	sld [smem:$0x3FA6];
	_ =	sdelay $0x3  }
0x34: {  	[smem:$0x3FA6] =	sst s10  }
0x35: {  	s10 =	sld [smem:$0x3FA5];
	_ =	sdelay $0x3  }
0x36: {  	p1 =	seq.s32 s10, $0x1;
	s10 =	sld [smem:$0x3FA6];
	_ =	sdelay $0x3  }
0x37: {  	[smem:$0x3FA6] =	sst s10  }
0x38: {  	s10 =	sld [smem:$0x3FA7]  }
0x39: {  	_ = 	snop;
	(pc) =	sbr.ind lr, $3  }
0x3a: {  	_ = 	snop  }
0x3b: {  	_ = 	snop  }
0x3c: {  	p2 =	seq.s32 s10, $0x1;
	s10 =	sld [smem:$0x3FA6]  }
0x3d: {  	_ =	shalt  }
0x3e: {  	_ =	shalt  }
0x3f: {  	_ =	shalt  }
0x40: {  	_ =	shalt  }
0x41: {  	_ =	shalt  }
0x42: {  	_ =	shalt  }
0x43: {  	_ =	shalt  }
0x44: {  	_ =	shalt  }
0x45: {  	_ =	shalt  }
0x46: {  	_ =	shalt  }
0x47: {  	_ =	shalt  }
0x48: {  	_ =	shalt  }
0x49: {  	_ =	shalt  }
0x4a: {  	_ =	shalt  }
0x4b: {  	_ =	shalt  }
0x4c: {  	_ =	shalt  }
0x4d: {  	_ =	shalt  }
0x4e: {  	_ =	shalt  }
0x4f: {  	_ =	shalt  }
0x50: {  	_ =	shalt  }
0x51: {  	_ =	shalt  }
0x52: {  	_ =	shalt  }
0x53: {  	_ =	shalt  }
0x54: {  	_ =	shalt  }
0x55: {  	_ =	shalt  }
0x56: {  	_ =	shalt  }
0x57: {  	_ =	shalt  }
0x58: {  	_ =	shalt  }
0x59: {  	_ =	shalt  }
0x5a: {  	_ =	shalt  }
0x5b: {  	_ =	shalt  }
0x5c: {  	_ =	shalt  }
0x5d: {  	_ =	shalt  }
0x5e: {  	_ =	shalt  }
0x5f: {  	_ =	shalt  }
0x60: {  	_ =	shalt  }
0x61: {  	_ =	shalt  }
0x62: {  	_ =	shalt  }
0x63: {  	_ =	shalt  }
0x64: {  	_ =	shalt  }
0x65: {  	_ =	shalt  }
0x66: {  	_ =	shalt  }
0x67: {  	_ =	shalt  }
0x68: {  	_ =	shalt  }
0x69: {  	_ =	shalt  }
0x6a: {  	_ =	shalt  }
0x6b: {  	_ =	shalt  }
0x6c: {  	_ =	shalt  }
0x6d: {  	_ =	shalt  }
0x6e: {  	_ =	shalt  }
0x6f: {  	_ =	shalt  }
0x70: {  	_ =	shalt  }
0x71: {  	_ =	shalt  }
0x72: {  	_ =	shalt  }
0x73: {  	_ =	shalt  }
0x74: {  	_ =	shalt  }
0x75: {  	_ =	shalt  }
0x76: {  	_ =	shalt  }
0x77: {  	_ =	shalt  }
0x78: {  	_ =	shalt  }
0x79: {  	_ =	shalt  }
0x7a: {  	_ =	shalt  }
0x7b: {  	_ =	shalt  }
0x7c: {  	_ =	shalt  }
0x7d: {  	_ =	shalt  }
0x7e: {  	_ =	shalt  }
0x7f: {  	_ =	shalt  }
0x80: {  	_ =	shalt  }
0x81: {  	_ =	shalt  }
0x82: {  	_ =	shalt  }
0x83: {  	_ =	shalt  }
0x84: {  	_ =	shalt  }
0x85: {  	_ =	shalt  }
0x86: {  	_ =	shalt  }
0x87: {  	_ =	shalt  }
.Lfunc_end0:
.L_simem_size_0:
called_computation_lowered:
.L_overlay_start_0:
0x88: {  	s2 =	sld [smem:$0x3FD9]  }
0x89: {  	s3 =	sld [smem:$0x3FFE];
	_ =	sdelay $0x1  }
0x8a: {  	s1 =	srdreg.scid  }
0x8b: {  	s0 =	sand.u32 $0x1, s1  }
0x8c: {  	s15 =	sshll.u32 s0, $0xA;
	s2 =	sadd.s32 s3, s2  }
0x8d: {  	s2 =	sadd.s32 s2, s15  }
0x8e: {  	[smem:$0x3FB2] =	sst s2  }
0x8f: {  	_ = 	snop  }
0x90: {  	s2 =	sld [smem:$0x3FD0];
	_ =	sdelay $0x2  }
0x91: {  	s16 =	simm.s32 $0xB;
	s4 =	simm.s32 $0x10  }
0x92: {  	[smem:s4], [sflag:s16] =	dma.local [hbm:s2], $0x1  }
0x93: {  	_ =	swait.eq [sflag:s16], $0x1  }
0x94: {  	[sflag:s16] =	ssyncset.done $0x0  }
0x95: {  	[sflag:s16] =	ssyncadd.s32 $0xFFFFFFFF  }
0x96: {  	s17 =	sld [smem:$0x11];
	(tm) =	ssettm $0x1  }
0x97: {  	s18 =	sld [smem:$0x3FFB];
	_ =	sdelay $0x3  }
0x98: {  	_ =	strace s18  }
0x99: {  	s2 =	sld [smem:$0x3FFC];
	_ =	sdelay $0x3  }
0x9a: {  	_ =	strace s2  }
0x9b: {  	s2 =	sld [smem:$0x3FFD];
	_ =	sdelay $0x3  }
0x9c: {  	_ =	strace s2  }
0x9d: {  	_ =	strace $0x8FFFFFFF  }
0x9e: {  	s19 =	sld [smem:$0x3FDB];
	_ =	sdelay $0x1  }
0x9f: {  	s20 =	simm.s32 $_scs_section_size  }
0xa0: {  	s5 =	simm.s32 $_size__tile_overlayer_lowered;
	s6 =	simm.s32 $_tile_overlayer_lowered  }
0xa1: {  	s7 =	simm.s32 $0x1BFF;
	s21 =	sshll.u32 s6, $0x1;
	s4 =	sadd.s32 s20, s19  }
0xa2: {  	s22 =	simm.s32 $0x0;
	s5 =	sshll.u32 s5, $0x1;
	s6 =	sadd.s32 s21, s4  }
0xa3: {  	[timem:s22], [sflag:s7] =	dma.local [hbm:s6], s5  }
0xa4: {  	_ =	swait.ge [sflag:s7], s5  }
0xa5: {  	s5 =	ssub.s32 $0x0, s5;
	[sflag:s7] =	ssyncset.done $0x0  }
0xa6: {  	[sflag:s7] =	ssyncadd.s32 s5;
	_ =	sdelay $0x1  }
0xa7: {  	s23 =	simm.s32 $0x1B8B  }
0xa8: {  	_ =	swait.ge [sflag:s23], $0x1  }
0xa9: {  	[sflag:s23] =	ssyncset.done $0x0  }
0xaa: {  	[sflag:s23] =	ssyncadd.s32 $0xFFFFFFFF  }
0xab: {  	s5 =	sld [smem:$0x0]  }
0xac: {  	s6 =	sand.u32 $0xFFFFFFFE, s1  }
0xad: {  	p0 =	sne.s32 s1, s6  }
0xae: {  	s6 =	sshll.u32 @p0 s6, $0xE  }
0xaf: {  	s6 =	sadd.s32 @p0 $0x11B8D, s6;
	s7 =	sshll.u32 @p0 s5, $0x11  }
0xb0: {  	s6 =	sor.u32 @p0 s7, s6  }
0xb1: {  	[sflag:s6] =	ssyncadd.remote.s32 @p0 $0x1;
	_ =	sdelay $0x1  }
0xb2: {  	s6 =	simm.s32 @p0 $0x1B8D  }
0xb3: {  	_ =	swait.eq @p0 [sflag:s6], $0x1  }
0xb4: {  	[sflag:s6] =	ssyncadd.s32 @p0 $0xFFFFFFFF  }
0xb5: {  	s7 =	sshll.u32 @!p0 s1, $0xE  }
0xb6: {  	s7 =	sor.u32 @!p0 $0x4000, s7;
	s6 =	simm.s32 @!p0 $0x1B8D  }
0xb7: {  	s5 =	sshll.u32 @!p0 s5, $0x11;
	s7 =	sadd.s32 @!p0 $0x11B8D, s7;
	_ =	swait.eq @!p0 [sflag:s6], $0x1  }
0xb8: {  	s5 =	sor.u32 @!p0 s5, s7;
	[sflag:s6] =	ssyncadd.s32 @!p0 $0xFFFFFFFF  }
0xb9: {  	s25 =	simm.s32 $0x1B8E;
	s24 =	sld [smem:$0x3FFE];
	[sflag:s5] =	ssyncadd.remote.s32 @!p0 $0x1  }
0xba: {  	s26 =	simm.s32 $execute0_lowered;
	[smem:$0x3FD2] =	sst s25  }
0xbb: {  	s6 =	sshll.u32 s26, $0x1;
	_ =	strace $0x80000049;
	[dreg:$0x1] =	wrdreg $0xFFFFFFFF  }
0xbc: {  	s28 =	simm.s32 $_size_execute0_lowered;
	s4 =	sadd.s32 s4, s6;
	[dreg:$0x0] =	wrdreg $0x0  }
0xbd: {  	s6 =	sshll.u32 s28, $0x1;
	[dreg:$0x2] =	wrdreg s4  }
0xbe: {  	[dreg:$0x3] =	wrdreg s6  }
0xbf: {  	[dreg:$0x4] =	wrdreg $0xC0  }
0xc0: {  	_ =	task [dreg:s22], $0x5FFFF  }
0xc1: {  	[dreg:$0x1] =	wrdreg $0xFFFFFFFF  }
0xc2: {  	[dreg:$0x0] =	wrdreg $0x60  }
0xc3: {  	[dreg:$0x2] =	wrdreg s24  }
0xc4: {  	[dreg:$0x3] =	wrdreg s17  }
0xc5: {  	[dreg:$0x4] =	wrdreg $0x0  }
0xc6: {  	[dreg:$0x5] =	wrdreg $0x9  }
0xc7: {  	_ =	task.clear_ibuf [dreg:s22], $0x6FFFF;
	_ =	strace $0x90000049  }
0xc8: {  	s29 =	simm.s32 $0x9;
	_ =	strace $0x8000004B  }
0xc9: {  	_ =	swait.ge [sflag:s29], $0x1  }
0xca: {  	[sflag:s29] =	ssyncadd.s32 $0xFFFFFFFF  }
0xcb: {  	_ =	strace $0x9000004B  }
0xcc: {  	_ =	sfence  }
0xcd: {  	s30 =	sld [smem:$0x0];
	_ =	sdelay $0x2  }
0xce: {  	s31 =	sshll.u32 s1, $0xD;
	s1 =	sshrl.u32 s1, $0x2  }
0xcf: {  	s4 =	sand.u32 $0x4000, s31;
	s1 =	sadd.s32 s1, s30  }
0xd0: {  	s0 =	sor.u32 s4, s0;
	s1 =	sshll.u32 s1, $0x11  }
0xd1: {  	s0 =	sor.u32 s1, s0  }
0xd2: {  	s0 =	sadd.s32 $0x8F2B, s0  }
0xd3: {  	[sflag:s0] =	ssyncadd.remote.s32 $0x1  }
0xd4: {  	_ =	sfence.sel $0xFFFF  }
0xd5: {  	[dreg:$0x0] =	wrdreg $0xFFFFFFFF;
	(pc) =	sbr.abs _section_cstart, $3  }
0xd6: {  	[dreg:$0x1] =	wrdreg $0xFFFFFFFF  }
0xd7: {  	_ =	task.clear_ibuf [dreg:s22], $0x2FFFF;
	_ =	strace $0x9FFFFFFF  }
0xd8: {  	(tm) =	ssettm $0x7FFFFFFF  }
0xd9: {  	_ =	shalt  }
tec
execute0_lowered:
.L_overlay_start_1:
0x0: {  	(tag) =	ssettag $0x1  }
0x1: {  	s6 =	rddreg [dreg:$0x0]  }
0x2: {  	s0 =	srdreg.scid;
	s2 =	rddreg [dreg:$0x1]  }
0x3: {  	s3 =	rddreg [dreg:$0x2];
	s4 =	simm.s32 $0x0;
	s13 =	simm.s32 $0x13C00  }
0x4: {  	s14 =	simm.s32 $0x80;
	s5 =	sand.u32 $0x1, s0;
	s0 =	stileid.u32  }
0x5: {  	s15 =	simm.s32 $0x0;
	[smem:$0x7FF] =	sst s4;
	s8 =	smul.u32 $0x13C00, s0  }
0x6: {  	s1 =	sshll.u32 s5, $0x4;
	s9 =	smul.u32 $0x13C000, s5;
	s5 =	ssub.s32 $0x2, s5  }
0x7: {  	s28 =	smul.u32 $0x4F000, s0;
	s31 =	sshll.u32 s0, $0x6;
	s1 =	sor.u32 s0, s1  }
0x8: {  	s29 =	sshrl.u32 s5, $0x1;
	s7 =	smul.u32 $0x500, s1;
	s1 =	rddreg [dreg:$0x3]  }
0x9: {  	_ =	strace $0x8000004A;
	s10 =	sshrl.u32 s8, $0x3;
	s8 =	sadd.s32 s8, s9  }
0xa: {  	s11 =	ssub.s32 s5, s29;
	s30 =	sshrl.u32 s28, $0x2;
	s8 =	sshrl.u32 s8, $0x3  }
0xb: {  	s10 =	sadd.s32 s10, s6;
	s12 =	sadd.s32 s30, s3;
	s9 =	smax.u32 s11, $0x1  }
0xc: {  	s11 =	simm.s32 $0x1;
	s7 =	sadd.s32 s7, s6;
	s8 =	sadd.s32 s8, s6  }
0xd: {  	s5 =	sadd.s32 $0xB5600, s10;
	s6 =	sor.u32 $0x1C01, s31;
	s10 =	sshrl.u32 s12, $0x3  }
0xe: {  	s12 =	simm.s32 $0x16400;
	s7 =	sadd.s32 $0x4400, s7;
	s8 =	sadd.s32 $0x12BE00, s8  }
.LBB2_1:
0xf: {  	[spmem:s10], [sflag:s6] =	dma.local [hbm:s5], $0x2780  }
0x10: {  	_ =	swait.ge [sflag:s11], $0x2780  }
0x11: {  	[sflag:s11] =	ssyncset.done $0x0  }
0x12: {  	[sflag:s11] =	ssyncadd.s32 $0xFFFFD880  }
0x13: {  	[tilespmem:s12], [sflag:$0x1] =	stream.linear.gather [hbm4b:s2+s4], $0x4000, $0x38;
	[tilespmem:$0x1A400] =	vst v63  }
0x14: {  	_ =	swait.ge [sflag:s11], $0x4000  }
0x15: {  	[sflag:s11] =	ssyncset.done $0x0  }
0x16: {  	[sflag:s11] =	ssyncadd.s32 $0xFFFFC000  }
0x17: {  	[tilespmem:s13], [sflag:$0x1] =	stream.linear.gather [hbm4b:s7+s4], $0x2800, $0x38;
	[tilespmem:$0x1A400] =	vst v63  }
0x18: {  	_ =	swait.ge [sflag:s11], $0x2800  }
0x19: {  	[sflag:s11] =	ssyncset.done $0x0  }
0x1a: {  	[sflag:s11] =	ssyncadd.s32 $0xFFFFD800  }
0x1b: {  	s16 =	simm.s32 $0x13C00;
	[bflag:$0x0] =	sbarrier.arrive $0xFFFF  }
0x1c: {  	[spmem:s3] =	stream.indirect.scatter.add.f32 [tilespmem:s12], [sflag:$0x1], $0x80, s16, s14, $0xb8;
	[tilespmem:$0x1A400] =	vst v63  }
0x1d: {  	s16 =	simm.s32 $0x200;
	_ =	swait.ge [sflag:s11], $0x4000  }
.LBB2_2:
0x1e: {  	s17 =	sshra.s32 s16, $0x2;
	[sflag:s11] =	ssyncset.done $0x0;
	p0 =	sne.s32 s16, $0x9E00  }
.Ltmp0:
0x1f: {  	s17 =	sadd.s32 $0x13C00, s17;
	[sflag:s11] =	ssyncadd.s32 $0xFFFFC000;
	(pc) =	sbr.rel @p0 .LBB2_2-.Ltmp0, $3  }
0x20: {  	[spmem:s3] =	stream.indirect.scatter.add.f32 [tilespmem:s12], [sflag:$0x1], $0x80, s17, s14, $0xb8;
	[tilespmem:$0x1A400] =	vst v63  }
0x21: {  	s16 =	sadd.s32 $0x200, s16;
	_ =	sdelay $0x1  }
0x22: {  	_ =	swait.ge [sflag:s11], $0x4000  }
0x23: {  	[sflag:s11] =	ssyncset.done $0x0;
	s15 =	sadd.s32 $0x1, s15  }
0x24: {  	[sflag:s11] =	ssyncadd.s32 $0xFFFFC000;
	p0 =	sne.s32 s15, s9  }
.Ltmp1:
0x25: {  	[bflag:$0x0] =	sbarrier.arrive $0xFFFF;
	(pc) =	sbr.rel @p0 .LBB2_1-.Ltmp1, $4  }
0x26: {  	[hbm:s8], [sflag:s6] =	dma.local [spmem:s10], $0x2780  }
0x27: {  	_ =	swait.ge [sflag:s11], $0x2780  }
0x28: {  	[sflag:s11] =	ssyncset.done $0x0  }
0x29: {  	[sflag:s11] =	ssyncadd.s32 $0xFFFFD880  }
0x2a: {  	_ =	sfence.sel $0x180000  }
0x2b: {  	[bflag:$0x0] =	sbarrier.arrive $0xFFFF  }
0x2c: {  	p0 =	sne.s32 s0, $0x0;
	_ =	strace $0x9000004A  }
0x2d: {  	s0 =	sadd.s32 @!p0 $0x100000, s1;
	[bflag:$0x2] =	sbarrier.arrive $0xFFFF  }
0x2e: {  	[sflag:s0] =	ssyncadd.tile.s32 @!p0 $0x1;
	_ =	shalt  }
.Lfunc_end2:
_tile_overlayer_lowered:
.L_overlay_start_2:
0x2f: {  	(tag) =	ssettag $0x2  }
0x30: {  	s0 =	rddreg [dreg:$0x0];
	s2 =	stileid.u32  }
0x31: {  	s1 =	rddreg [dreg:$0x1];
	p0 =	sne.s32 s2, $0x0  }
0x32: {  	s3 =	rddreg [dreg:$0x2];
	[bflag:$0x3] =	sbarrier.arrive $0xFFFF;
	s2 =	simm.s32 @!p0 $0x1C01  }
0x33: {  	[timem:s3], [sflag:s2] =	dma.local @!p0 [hbm:s0], s1  }
0x34: {  	s0 =	simm.s32 @!p0 $0x1  }
0x35: {  	_ =	swait.ge @!p0 [sflag:s0], s1  }
0x36: {  	s1 =	ssub.s32 @!p0 $0x0, s1;
	[sflag:s0] =	ssyncset.done @!p0 $0x0  }
0x37: {  	[sflag:s0] =	ssyncadd.s32 @!p0 s1  }
0x38: {  	[bflag:$0x3] =	sbarrier.arrive $0xFFFF  }
0x39: {  	_ =	shalt  }

</sc_bundles>
